<compile_context>
chip_gen: v7x
topology: tpu7x:2x2x1
jax: 0.10.2.dev20260603
libtpu: 0.0.44.dev20260713+nightly
codegen_flags: <defaults>
</compile_context>

<pallas_src>
import jax
import jax.numpy as jnp
from jax import lax
from jax.experimental import pallas as pl
from jax.experimental.pallas import tpu as pltpu
from jax.experimental.pallas import tpu_sc as plsc

NUM_CORES = 2
NUM_SUBCORES = 16
NUM_WORKERS = NUM_CORES * NUM_SUBCORES

R = 16
SEQ = 50


def _embed_lookup(ids_hbm, table_hbm, out_hbm, idx_v, rows_v,
                  sem_i0, sem_i1, sem_g, sem_s0, sem_s1):
    wid = lax.axis_index("s") * NUM_CORES + lax.axis_index("c")
    n_rows_total = ids_hbm.shape[0]
    nbw = n_rows_total // (NUM_WORKERS * R)
    base_blk = wid * nbw
    sem_i = (sem_i0, sem_i1)
    sem_s = (sem_s0, sem_s1)

    def load_ids(blk, b, sem):
        pltpu.async_copy(
            ids_hbm.at[pl.ds(blk * R, R)], idx_v.at[b], sem
        )

    load_ids(base_blk, 0, sem_i[0])

    @pl.loop(0, nbw, step=2)
    def _pair(i0):
        for b in range(2):
            i = i0 + b
            blk = base_blk + i

            pltpu.make_async_copy(
                ids_hbm.at[pl.ds(0, R)], idx_v.at[b], sem_i[b]
            ).wait()

            @pl.when(i >= 2)
            def _():
                pltpu.make_async_copy(
                    rows_v.at[b], out_hbm.at[pl.ds(0, R)], sem_s[b]
                ).wait()

            copies = [
                pltpu.async_copy(
                    table_hbm.at[idx_v.at[b, r]],
                    rows_v.at[b, r],
                    sem_g,
                )
                for r in range(R)
            ]

            @pl.when(i + 1 < nbw)
            def _():
                load_ids(blk + 1, 1 - b, sem_i[1 - b])

            for cp in copies:
                cp.wait()

            pltpu.async_copy(
                rows_v.at[b], out_hbm.at[pl.ds(blk * R, R)], sem_s[b]
            )

    for b in range(2):
        pltpu.make_async_copy(
            rows_v.at[b], out_hbm.at[pl.ds(0, R)], sem_s[b]
        ).wait()


def kernel(token_ids, embedding_matrix):
    batch, seq = token_ids.shape
    n_rows, dim = embedding_matrix.shape
    assert seq == SEQ and batch % (NUM_WORKERS * R * 2) == 0
    ids = token_ids.astype(jnp.int32)

    mesh = plsc.VectorSubcoreMesh(
        core_axis_name="c", subcore_axis_name="s",
        num_cores=NUM_CORES, num_subcores=NUM_SUBCORES,
    )
    run = pl.kernel(
        _embed_lookup,
        out_type=jax.ShapeDtypeStruct((batch, seq, dim), jnp.float32),
        mesh=mesh,
        scratch_types=[
            pltpu.VMEM((2, R, SEQ), jnp.int32),
            pltpu.VMEM((2, R, SEQ, dim), jnp.float32),
            pltpu.SemaphoreType.DMA,
            pltpu.SemaphoreType.DMA,
            pltpu.SemaphoreType.DMA,
            pltpu.SemaphoreType.DMA,
            pltpu.SemaphoreType.DMA,
        ],
        compiler_params=pltpu.CompilerParams(use_tc_tiling_on_sc=False),
    )
    return run(ids, embedding_matrix)

# --- scband reference (transcript-rebuilt; emitter-appended) ---
"""Pipeline reference for scband-embedding-2482491097897 (READ-ONLY COPY).

The authoritative reference and input builder live on the scoring server;
editing this copy changes nothing except your own understanding.
"""

import jax, jax.numpy as jnp
import numpy as np

NUM_EMBEDDINGS = 1000000
EMBEDDING_DIM = 32

def setup_inputs(seed: int = 0) -> dict:
    key = jax.random.key(seed)
    k1, k2 = jax.random.split(key)
    token_ids = jax.random.randint(k1, (16384, 50), 0, NUM_EMBEDDINGS, dtype=jnp.int64 if jax.config.jax_enable_x64 else jnp.int32)
    # truncated normal init, mean=0, std=1, a=-3, b=3
    embedding_matrix = jax.random.truncated_normal(k2, -3.0, 3.0, (NUM_EMBEDDINGS, EMBEDDING_DIM), dtype=jnp.float32)
    return {"token_ids": token_ids, "embedding_matrix": embedding_matrix}

def reference(token_ids, embedding_matrix):
    # faithful translation of: return self.embedding_matrix[token_ids]
    return jnp.take(embedding_matrix, token_ids, axis=0)

if __name__ == "__main__":
    import jax
    _d = setup_inputs()
    print(jax.jit(kernel)(*tuple(_d.values())))

</pallas_src>

<mosaic_0001>
#map = affine_map<(d0, d1) -> (0, 0)>
#map1 = affine_map<(d0, d1) -> (0, 0, 0)>
module attributes {stable_mosaic.version = 14 : i64} {
  func.func @_embed_lookup(%arg0: i32, %arg1: i32, %arg2: memref<16384x50xi32, #tpu.memory_space<hbm>>, %arg3: memref<1000000x32xf32, #tpu.memory_space<hbm>>, %arg4: memref<16384x50x32xf32, #tpu.memory_space<hbm>>, %arg5: memref<2x16x50xi32, #tpu.memory_space<vmem>>, %arg6: memref<2x16x50x32xf32, #tpu.memory_space<vmem>>, %arg7: memref<!tpu.dma_semaphore, #tpu.memory_space<semaphore_mem>>, %arg8: memref<!tpu.dma_semaphore, #tpu.memory_space<semaphore_mem>>, %arg9: memref<!tpu.dma_semaphore, #tpu.memory_space<semaphore_mem>>, %arg10: memref<!tpu.dma_semaphore, #tpu.memory_space<semaphore_mem>>, %arg11: memref<!tpu.dma_semaphore, #tpu.memory_space<semaphore_mem>>) attributes {dimension_semantics = [#tpu.dimension_semantics<core_parallel>, #tpu.dimension_semantics<subcore_parallel>], iteration_bounds = array<i64: 2, 16>, scalar_prefetch = 0 : i64, scratch_operands = 7 : i64, tpu.core_type = #tpu.core_type<sc_vector_subcore>, window_params = [{transform_indices = #map}, {transform_indices = #map}, {transform_indices = #map1}]} {
    %mul3A = arith.constant 2 : i32
    %mul3A_0 = arith.muli %arg1, %mul3A : i32
    %add3A = arith.addi %mul3A_0, %arg0 : i32
    %mul3A_1 = arith.constant 32 : i32
    %mul3A_2 = arith.muli %add3A, %mul3A_1 : i32
    %mul3A_3 = arith.constant 16 : i32
    %mul3A_4 = arith.muli %mul3A_2, %mul3A_3 : i32
    %dma_start3A = arith.constant 0 : i32
    %dma_start3A_5 = arith.constant 0 : i32
    %dma_start3A_6 = arith.constant 0 : i32
    %dma_start3A_7 = tpu.memref_slice %arg5[%dma_start3A, %dma_start3A_5, %dma_start3A_6] : memref<2x16x50xi32, #tpu.memory_space<vmem>> -> memref<1x16x50xi32, #tpu.memory_space<vmem>>
    %dma_start3A_8 = tpu.memref_squeeze %dma_start3A_7 : memref<1x16x50xi32, #tpu.memory_space<vmem>> -> memref<16x50xi32, #tpu.memory_space<vmem>>
    %dma_start3A_9 = arith.constant 0 : i32
    %dma_start3A_10 = tpu.memref_slice %arg2[%mul3A_4, %dma_start3A_9] : memref<16384x50xi32, #tpu.memory_space<hbm>> -> memref<16x50xi32, #tpu.memory_space<hbm>>
    %dma_start3A_11 = arith.constant 0 : i32
    %dma_start3A_12 = arith.constant 0 : i32
    %dma_start3A_13 = tpu.memref_slice %arg5[%dma_start3A, %dma_start3A_11, %dma_start3A_12] : memref<2x16x50xi32, #tpu.memory_space<vmem>> -> memref<1x16x50xi32, #tpu.memory_space<vmem>>
    %dma_start3A_14 = tpu.memref_squeeze %dma_start3A_13 : memref<1x16x50xi32, #tpu.memory_space<vmem>> -> memref<16x50xi32, #tpu.memory_space<vmem>>
    %dma_start3A_15 = arith.constant 0 : i32
    %dma_start3A_16 = tpu.memref_slice %arg2[%mul3A_4, %dma_start3A_15] : memref<16384x50xi32, #tpu.memory_space<hbm>> -> memref<16x50xi32, #tpu.memory_space<hbm>>
    tpu.enqueue_dma source(%dma_start3A_16 : memref<16x50xi32, #tpu.memory_space<hbm>>) target(%dma_start3A_14 : memref<16x50xi32, #tpu.memory_space<vmem>>) target_semaphore(%arg7 : memref<!tpu.dma_semaphore, #tpu.memory_space<semaphore_mem>>)
    %scan3A = arith.constant 0 : i32
    %scan3A_17 = arith.constant 16 : i32
    %scan3A_18 = arith.addi %scan3A, %scan3A_17 : i32
    %scan3A_19 = arith.constant 1 : i32
    scf.for %scan3A_58 = %scan3A to %scan3A_18 step %scan3A_19  : i32 {
      %mul3A_59 = arith.constant 2 : i32
      %mul3A_60 = arith.muli %scan3A_58, %mul3A_59 : i32
      %add3A_61 = arith.constant 0 : i32
      %add3A_62 = arith.addi %add3A_61, %mul3A_60 : i32
      %add3A_63 = arith.constant 0 : i32
      %add3A_64 = arith.addi %add3A_62, %add3A_63 : i32
      %add3A_65 = arith.addi %mul3A_2, %add3A_64 : i32
      %dma_wait3A_66 = arith.constant 0 : i32
      %dma_wait3A_67 = arith.constant 0 : i32
      %dma_wait3A_68 = arith.constant 0 : i32
      %dma_wait3A_69 = tpu.memref_slice %arg5[%dma_wait3A_66, %dma_wait3A_67, %dma_wait3A_68] : memref<2x16x50xi32, #tpu.memory_space<vmem>> -> memref<1x16x50xi32, #tpu.memory_space<vmem>>
      %dma_wait3A_70 = tpu.memref_squeeze %dma_wait3A_69 : memref<1x16x50xi32, #tpu.memory_space<vmem>> -> memref<16x50xi32, #tpu.memory_space<vmem>>
      %dma_wait3A_71 = arith.constant 0 : i32
      %dma_wait3A_72 = arith.constant 0 : i32
      %dma_wait3A_73 = tpu.memref_slice %arg2[%dma_wait3A_71, %dma_wait3A_72] : memref<16384x50xi32, #tpu.memory_space<hbm>> -> memref<16x50xi32, #tpu.memory_space<hbm>>
      %dma_wait3A_74 = arith.constant 0 : i32
      %dma_wait3A_75 = arith.constant 0 : i32
      %dma_wait3A_76 = tpu.memref_slice %arg5[%dma_wait3A_66, %dma_wait3A_74, %dma_wait3A_75] : memref<2x16x50xi32, #tpu.memory_space<vmem>> -> memref<1x16x50xi32, #tpu.memory_space<vmem>>
      %dma_wait3A_77 = tpu.memref_squeeze %dma_wait3A_76 : memref<1x16x50xi32, #tpu.memory_space<vmem>> -> memref<16x50xi32, #tpu.memory_space<vmem>>
      %dma_wait3A_78 = arith.constant 0 : i32
      %dma_wait3A_79 = arith.constant 0 : i32
      %dma_wait3A_80 = tpu.memref_slice %arg2[%dma_wait3A_78, %dma_wait3A_79] : memref<16384x50xi32, #tpu.memory_space<hbm>> -> memref<16x50xi32, #tpu.memory_space<hbm>>
      tpu.wait_dma2 semaphore(%arg7 : memref<!tpu.dma_semaphore, #tpu.memory_space<semaphore_mem>>) src(%dma_wait3A_80 : memref<16x50xi32, #tpu.memory_space<hbm>>) dst(%dma_wait3A_77 : memref<16x50xi32, #tpu.memory_space<vmem>>)
      %ge3A = arith.constant 2 : i32
      %ge3A_81 = arith.cmpi sge, %add3A_64, %ge3A : i32
      %convert_element_type3A = arith.extui %ge3A_81 : i1 to i32
      %cond3A = arith.constant 0 : i32
      %cond3A_82 = arith.cmpi ne, %convert_element_type3A, %cond3A : i32
      scf.if %cond3A_82 {
        %dma_wait3A_1053 = arith.constant 0 : i32
        %dma_wait3A_1054 = arith.constant 0 : i32
        %dma_wait3A_1055 = arith.constant 0 : i32
        %dma_wait3A_1056 = arith.constant 0 : i32
        %dma_wait3A_1057 = tpu.memref_slice %arg6[%dma_wait3A_1053, %dma_wait3A_1054, %dma_wait3A_1055, %dma_wait3A_1056] : memref<2x16x50x32xf32, #tpu.memory_space<vmem>> -> memref<1x16x50x32xf32, #tpu.memory_space<vmem>>
        %dma_wait3A_1058 = tpu.memref_squeeze %dma_wait3A_1057 : memref<1x16x50x32xf32, #tpu.memory_space<vmem>> -> memref<16x50x32xf32, #tpu.memory_space<vmem>>
        %dma_wait3A_1059 = arith.constant 0 : i32
        %dma_wait3A_1060 = arith.constant 0 : i32
        %dma_wait3A_1061 = arith.constant 0 : i32
        %dma_wait3A_1062 = tpu.memref_slice %arg4[%dma_wait3A_1059, %dma_wait3A_1060, %dma_wait3A_1061] : memref<16384x50x32xf32, #tpu.memory_space<hbm>> -> memref<16x50x32xf32, #tpu.memory_space<hbm>>
        %dma_wait3A_1063 = arith.constant 0 : i32
        %dma_wait3A_1064 = arith.constant 0 : i32
        %dma_wait3A_1065 = arith.constant 0 : i32
        %dma_wait3A_1066 = tpu.memref_slice %arg4[%dma_wait3A_1063, %dma_wait3A_1064, %dma_wait3A_1065] : memref<16384x50x32xf32, #tpu.memory_space<hbm>> -> memref<16x50x32xf32, #tpu.memory_space<hbm>>
        %dma_wait3A_1067 = arith.constant 0 : i32
        %dma_wait3A_1068 = arith.constant 0 : i32
        %dma_wait3A_1069 = arith.constant 0 : i32
        %dma_wait3A_1070 = tpu.memref_slice %arg6[%dma_wait3A_1053, %dma_wait3A_1067, %dma_wait3A_1068, %dma_wait3A_1069] : memref<2x16x50x32xf32, #tpu.memory_space<vmem>> -> memref<1x16x50x32xf32, #tpu.memory_space<vmem>>
        %dma_wait3A_1071 = tpu.memref_squeeze %dma_wait3A_1070 : memref<1x16x50x32xf32, #tpu.memory_space<vmem>> -> memref<16x50x32xf32, #tpu.memory_space<vmem>>
        tpu.wait_dma2 semaphore(%arg10 : memref<!tpu.dma_semaphore, #tpu.memory_space<semaphore_mem>>) src(%dma_wait3A_1071 : memref<16x50x32xf32, #tpu.memory_space<vmem>>) dst(%dma_wait3A_1066 : memref<16x50x32xf32, #tpu.memory_space<hbm>>)
      } else {
      }
      %dma_start3A_83 = arith.constant 0 : i32
      %dma_start3A_84 = arith.constant 0 : i32
      %dma_start3A_85 = arith.constant 0 : i32
      %dma_start3A_86 = arith.constant 0 : i32
      %dma_start3A_87 = arith.constant 0 : i32
      %dma_start3A_88 = arith.constant 0 : i32
      %dma_start3A_89 = tpu.memref_slice %arg6[%dma_start3A_85, %dma_start3A_86, %dma_start3A_87, %dma_start3A_88] : memref<2x16x50x32xf32, #tpu.memory_space<vmem>> -> memref<1x1x50x32xf32, #tpu.memory_space<vmem>>
      %dma_start3A_90 = tpu.memref_squeeze %dma_start3A_89 : memref<1x1x50x32xf32, #tpu.memory_space<vmem>> -> memref<50x32xf32, #tpu.memory_space<vmem>>
      %dma_start3A_91 = arith.constant 0 : i32
      %dma_start3A_92 = tpu.memref_slice %arg5[%dma_start3A_83, %dma_start3A_84, %dma_start3A_91] : memref<2x16x50xi32, #tpu.memory_space<vmem>> -> memref<1x1x50xi32, #tpu.memory_space<vmem>>
      %dma_start3A_93 = tpu.memref_squeeze %dma_start3A_92 : memref<1x1x50xi32, #tpu.memory_space<vmem>> -> memref<50xi32, #tpu.memory_space<vmem>>
      %dma_start3A_94 = arith.constant 0 : i32
      %dma_start3A_95 = arith.constant 0 : i32
      %dma_start3A_96 = tpu.memref_slice %arg3[%dma_start3A_94, %dma_start3A_95] : memref<1000000x32xf32, #tpu.memory_space<hbm>> -> memref<1000000x32xf32, #tpu.memory_space<hbm>>
      tpu.enqueue_indirect_dma source(%dma_start3A_96 : memref<1000000x32xf32, #tpu.memory_space<hbm>>) target(%dma_start3A_90 : memref<50x32xf32, #tpu.memory_space<vmem>>) offsets(%dma_start3A_93 : memref<50xi32, #tpu.memory_space<vmem>>) semaphore(%arg9 : memref<!tpu.dma_semaphore, #tpu.memory_space<semaphore_mem>>)
      %dma_start3A_97 = arith.constant 0 : i32
      %dma_start3A_98 = arith.constant 1 : i32
      %dma_start3A_99 = arith.constant 0 : i32
      %dma_start3A_100 = arith.constant 1 : i32
      %dma_start3A_101 = arith.constant 0 : i32
      %dma_start3A_102 = arith.constant 0 : i32
      %dma_start3A_103 = tpu.memref_slice %arg6[%dma_start3A_99, %dma_start3A_100, %dma_start3A_101, %dma_start3A_102] : memref<2x16x50x32xf32, #tpu.memory_space<vmem>> -> memref<1x1x50x32xf32, #tpu.memory_space<vmem>>
      %dma_start3A_104 = tpu.memref_squeeze %dma_start3A_103 : memref<1x1x50x32xf32, #tpu.memory_space<vmem>> -> memref<50x32xf32, #tpu.memory_space<vmem>>
      %dma_start3A_105 = arith.constant 0 : i32
      %dma_start3A_106 = tpu.memref_slice %arg5[%dma_start3A_97, %dma_start3A_98, %dma_start3A_105] : memref<2x16x50xi32, #tpu.memory_space<vmem>> -> memref<1x1x50xi32, #tpu.memory_space<vmem>>
      %dma_start3A_107 = tpu.memref_squeeze %dma_start3A_106 : memref<1x1x50xi32, #tpu.memory_space<vmem>> -> memref<50xi32, #tpu.memory_space<vmem>>
      %dma_start3A_108 = arith.constant 0 : i32
      %dma_start3A_109 = arith.constant 0 : i32
      %dma_start3A_110 = tpu.memref_slice %arg3[%dma_start3A_108, %dma_start3A_109] : memref<1000000x32xf32, #tpu.memory_space<hbm>> -> memref<1000000x32xf32, #tpu.memory_space<hbm>>
      tpu.enqueue_indirect_dma source(%dma_start3A_110 : memref<1000000x32xf32, #tpu.memory_space<hbm>>) target(%dma_start3A_104 : memref<50x32xf32, #tpu.memory_space<vmem>>) offsets(%dma_start3A_107 : memref<50xi32, #tpu.memory_space<vmem>>) semaphore(%arg9 : memref<!tpu.dma_semaphore, #tpu.memory_space<semaphore_mem>>)
      %dma_start3A_111 = arith.constant 0 : i32
      %dma_start3A_112 = arith.constant 2 : i32
      %dma_start3A_113 = arith.constant 0 : i32
      %dma_start3A_114 = arith.constant 2 : i32
      %dma_start3A_115 = arith.constant 0 : i32
      %dma_start3A_116 = arith.constant 0 : i32
      %dma_start3A_117 = tpu.memref_slice %arg6[%dma_start3A_113, %dma_start3A_114, %dma_start3A_115, %dma_start3A_116] : memref<2x16x50x32xf32, #tpu.memory_space<vmem>> -> memref<1x1x50x32xf32, #tpu.memory_space<vmem>>
      %dma_start3A_118 = tpu.memref_squeeze %dma_start3A_117 : memref<1x1x50x32xf32, #tpu.memory_space<vmem>> -> memref<50x32xf32, #tpu.memory_space<vmem>>
      %dma_start3A_119 = arith.constant 0 : i32
      %dma_start3A_120 = tpu.memref_slice %arg5[%dma_start3A_111, %dma_start3A_112, %dma_start3A_119] : memref<2x16x50xi32, #tpu.memory_space<vmem>> -> memref<1x1x50xi32, #tpu.memory_space<vmem>>
      %dma_start3A_121 = tpu.memref_squeeze %dma_start3A_120 : memref<1x1x50xi32, #tpu.memory_space<vmem>> -> memref<50xi32, #tpu.memory_space<vmem>>
      %dma_start3A_122 = arith.constant 0 : i32
      %dma_start3A_123 = arith.constant 0 : i32
      %dma_start3A_124 = tpu.memref_slice %arg3[%dma_start3A_122, %dma_start3A_123] : memref<1000000x32xf32, #tpu.memory_space<hbm>> -> memref<1000000x32xf32, #tpu.memory_space<hbm>>
      tpu.enqueue_indirect_dma source(%dma_start3A_124 : memref<1000000x32xf32, #tpu.memory_space<hbm>>) target(%dma_start3A_118 : memref<50x32xf32, #tpu.memory_space<vmem>>) offsets(%dma_start3A_121 : memref<50xi32, #tpu.memory_space<vmem>>) semaphore(%arg9 : memref<!tpu.dma_semaphore, #tpu.memory_space<semaphore_mem>>)
      %dma_start3A_125 = arith.constant 0 : i32
      %dma_start3A_126 = arith.constant 3 : i32
      %dma_start3A_127 = arith.constant 0 : i32
      %dma_start3A_128 = arith.constant 3 : i32
      %dma_start3A_129 = arith.constant 0 : i32
      %dma_start3A_130 = arith.constant 0 : i32
      %dma_start3A_131 = tpu.memref_slice %arg6[%dma_start3A_127, %dma_start3A_128, %dma_start3A_129, %dma_start3A_130] : memref<2x16x50x32xf32, #tpu.memory_space<vmem>> -> memref<1x1x50x32xf32, #tpu.memory_space<vmem>>
      %dma_start3A_132 = tpu.memref_squeeze %dma_start3A_131 : memref<1x1x50x32xf32, #tpu.memory_space<vmem>> -> memref<50x32xf32, #tpu.memory_space<vmem>>
      %dma_start3A_133 = arith.constant 0 : i32
      %dma_start3A_134 = tpu.memref_slice %arg5[%dma_start3A_125, %dma_start3A_126, %dma_start3A_133] : memref<2x16x50xi32, #tpu.memory_space<vmem>> -> memref<1x1x50xi32, #tpu.memory_space<vmem>>
      %dma_start3A_135 = tpu.memref_squeeze %dma_start3A_134 : memref<1x1x50xi32, #tpu.memory_space<vmem>> -> memref<50xi32, #tpu.memory_space<vmem>>
      %dma_start3A_136 = arith.constant 0 : i32
      %dma_start3A_137 = arith.constant 0 : i32
      %dma_start3A_138 = tpu.memref_slice %arg3[%dma_start3A_136, %dma_start3A_137] : memref<1000000x32xf32, #tpu.memory_space<hbm>> -> memref<1000000x32xf32, #tpu.memory_space<hbm>>
      tpu.enqueue_indirect_dma source(%dma_start3A_138 : memref<1000000x32xf32, #tpu.memory_space<hbm>>) target(%dma_start3A_132 : memref<50x32xf32, #tpu.memory_space<vmem>>) offsets(%dma_start3A_135 : memref<50xi32, #tpu.memory_space<vmem>>) semaphore(%arg9 : memref<!tpu.dma_semaphore, #tpu.memory_space<semaphore_mem>>)
      %dma_start3A_139 = arith.constant 0 : i32
      %dma_start3A_140 = arith.constant 4 : i32
      %dma_start3A_141 = arith.constant 0 : i32
      %dma_start3A_142 = arith.constant 4 : i32
      %dma_start3A_143 = arith.constant 0 : i32
      %dma_start3A_144 = arith.constant 0 : i32
      %dma_start3A_145 = tpu.memref_slice %arg6[%dma_start3A_141, %dma_start3A_142, %dma_start3A_143, %dma_start3A_144] : memref<2x16x50x32xf32, #tpu.memory_space<vmem>> -> memref<1x1x50x32xf32, #tpu.memory_space<vmem>>
      %dma_start3A_146 = tpu.memref_squeeze %dma_start3A_145 : memref<1x1x50x32xf32, #tpu.memory_space<vmem>> -> memref<50x32xf32, #tpu.memory_space<vmem>>
      %dma_start3A_147 = arith.constant 0 : i32
      %dma_start3A_148 = tpu.memref_slice %arg5[%dma_start3A_139, %dma_start3A_140, %dma_start3A_147] : memref<2x16x50xi32, #tpu.memory_space<vmem>> -> memref<1x1x50xi32, #tpu.memory_space<vmem>>
      %dma_start3A_149 = tpu.memref_squeeze %dma_start3A_148 : memref<1x1x50xi32, #tpu.memory_space<vmem>> -> memref<50xi32, #tpu.memory_space<vmem>>
      %dma_start3A_150 = arith.constant 0 : i32
      %dma_start3A_151 = arith.constant 0 : i32
      %dma_start3A_152 = tpu.memref_slice %arg3[%dma_start3A_150, %dma_start3A_151] : memref<1000000x32xf32, #tpu.memory_space<hbm>> -> memref<1000000x32xf32, #tpu.memory_space<hbm>>
      tpu.enqueue_indirect_dma source(%dma_start3A_152 : memref<1000000x32xf32, #tpu.memory_space<hbm>>) target(%dma_start3A_146 : memref<50x32xf32, #tpu.memory_space<vmem>>) offsets(%dma_start3A_149 : memref<50xi32, #tpu.memory_space<vmem>>) semaphore(%arg9 : memref<!tpu.dma_semaphore, #tpu.memory_space<semaphore_mem>>)
      %dma_start3A_153 = arith.constant 0 : i32
      %dma_start3A_154 = arith.constant 5 : i32
      %dma_start3A_155 = arith.constant 0 : i32
      %dma_start3A_156 = arith.constant 5 : i32
      %dma_start3A_157 = arith.constant 0 : i32
      %dma_start3A_158 = arith.constant 0 : i32
      %dma_start3A_159 = tpu.memref_slice %arg6[%dma_start3A_155, %dma_start3A_156, %dma_start3A_157, %dma_start3A_158] : memref<2x16x50x32xf32, #tpu.memory_space<vmem>> -> memref<1x1x50x32xf32, #tpu.memory_space<vmem>>
      %dma_start3A_160 = tpu.memref_squeeze %dma_start3A_159 : memref<1x1x50x32xf32, #tpu.memory_space<vmem>> -> memref<50x32xf32, #tpu.memory_space<vmem>>
      %dma_start3A_161 = arith.constant 0 : i32
      %dma_start3A_162 = tpu.memref_slice %arg5[%dma_start3A_153, %dma_start3A_154, %dma_start3A_161] : memref<2x16x50xi32, #tpu.memory_space<vmem>> -> memref<1x1x50xi32, #tpu.memory_space<vmem>>
      %dma_start3A_163 = tpu.memref_squeeze %dma_start3A_162 : memref<1x1x50xi32, #tpu.memory_space<vmem>> -> memref<50xi32, #tpu.memory_space<vmem>>
      %dma_start3A_164 = arith.constant 0 : i32
      %dma_start3A_165 = arith.constant 0 : i32
      %dma_start3A_166 = tpu.memref_slice %arg3[%dma_start3A_164, %dma_start3A_165] : memref<1000000x32xf32, #tpu.memory_space<hbm>> -> memref<1000000x32xf32, #tpu.memory_space<hbm>>
      tpu.enqueue_indirect_dma source(%dma_start3A_166 : memref<1000000x32xf32, #tpu.memory_space<hbm>>) target(%dma_start3A_160 : memref<50x32xf32, #tpu.memory_space<vmem>>) offsets(%dma_start3A_163 : memref<50xi32, #tpu.memory_space<vmem>>) semaphore(%arg9 : memref<!tpu.dma_semaphore, #tpu.memory_space<semaphore_mem>>)
      %dma_start3A_167 = arith.constant 0 : i32
      %dma_start3A_168 = arith.constant 6 : i32
      %dma_start3A_169 = arith.constant 0 : i32
      %dma_start3A_170 = arith.constant 6 : i32
      %dma_start3A_171 = arith.constant 0 : i32
      %dma_start3A_172 = arith.constant 0 : i32
      %dma_start3A_173 = tpu.memref_slice %arg6[%dma_start3A_169, %dma_start3A_170, %dma_start3A_171, %dma_start3A_172] : memref<2x16x50x32xf32, #tpu.memory_space<vmem>> -> memref<1x1x50x32xf32, #tpu.memory_space<vmem>>
      %dma_start3A_174 = tpu.memref_squeeze %dma_start3A_173 : memref<1x1x50x32xf32, #tpu.memory_space<vmem>> -> memref<50x32xf32, #tpu.memory_space<vmem>>
      %dma_start3A_175 = arith.constant 0 : i32
      %dma_start3A_176 = tpu.memref_slice %arg5[%dma_start3A_167, %dma_start3A_168, %dma_start3A_175] : memref<2x16x50xi32, #tpu.memory_space<vmem>> -> memref<1x1x50xi32, #tpu.memory_space<vmem>>
      %dma_start3A_177 = tpu.memref_squeeze %dma_start3A_176 : memref<1x1x50xi32, #tpu.memory_space<vmem>> -> memref<50xi32, #tpu.memory_space<vmem>>
      %dma_start3A_178 = arith.constant 0 : i32
      %dma_start3A_179 = arith.constant 0 : i32
      %dma_start3A_180 = tpu.memref_slice %arg3[%dma_start3A_178, %dma_start3A_179] : memref<1000000x32xf32, #tpu.memory_space<hbm>> -> memref<1000000x32xf32, #tpu.memory_space<hbm>>
      tpu.enqueue_indirect_dma source(%dma_start3A_180 : memref<1000000x32xf32, #tpu.memory_space<hbm>>) target(%dma_start3A_174 : memref<50x32xf32, #tpu.memory_space<vmem>>) offsets(%dma_start3A_177 : memref<50xi32, #tpu.memory_space<vmem>>) semaphore(%arg9 : memref<!tpu.dma_semaphore, #tpu.memory_space<semaphore_mem>>)
      %dma_start3A_181 = arith.constant 0 : i32
      %dma_start3A_182 = arith.constant 7 : i32
      %dma_start3A_183 = arith.constant 0 : i32
      %dma_start3A_184 = arith.constant 7 : i32
      %dma_start3A_185 = arith.constant 0 : i32
      %dma_start3A_186 = arith.constant 0 : i32
      %dma_start3A_187 = tpu.memref_slice %arg6[%dma_start3A_183, %dma_start3A_184, %dma_start3A_185, %dma_start3A_186] : memref<2x16x50x32xf32, #tpu.memory_space<vmem>> -> memref<1x1x50x32xf32, #tpu.memory_space<vmem>>
      %dma_start3A_188 = tpu.memref_squeeze %dma_start3A_187 : memref<1x1x50x32xf32, #tpu.memory_space<vmem>> -> memref<50x32xf32, #tpu.memory_space<vmem>>
      %dma_start3A_189 = arith.constant 0 : i32
      %dma_start3A_190 = tpu.memref_slice %arg5[%dma_start3A_181, %dma_start3A_182, %dma_start3A_189] : memref<2x16x50xi32, #tpu.memory_space<vmem>> -> memref<1x1x50xi32, #tpu.memory_space<vmem>>
      %dma_start3A_191 = tpu.memref_squeeze %dma_start3A_190 : memref<1x1x50xi32, #tpu.memory_space<vmem>> -> memref<50xi32, #tpu.memory_space<vmem>>
      %dma_start3A_192 = arith.constant 0 : i32
      %dma_start3A_193 = arith.constant 0 : i32
      %dma_start3A_194 = tpu.memref_slice %arg3[%dma_start3A_192, %dma_start3A_193] : memref<1000000x32xf32, #tpu.memory_space<hbm>> -> memref<1000000x32xf32, #tpu.memory_space<hbm>>
      tpu.enqueue_indirect_dma source(%dma_start3A_194 : memref<1000000x32xf32, #tpu.memory_space<hbm>>) target(%dma_start3A_188 : memref<50x32xf32, #tpu.memory_space<vmem>>) offsets(%dma_start3A_191 : memref<50xi32, #tpu.memory_space<vmem>>) semaphore(%arg9 : memref<!tpu.dma_semaphore, #tpu.memory_space<semaphore_mem>>)
      %dma_start3A_195 = arith.constant 0 : i32
      %dma_start3A_196 = arith.constant 8 : i32
      %dma_start3A_197 = arith.constant 0 : i32
      %dma_start3A_198 = arith.constant 8 : i32
      %dma_start3A_199 = arith.constant 0 : i32
      %dma_start3A_200 = arith.constant 0 : i32
      %dma_start3A_201 = tpu.memref_slice %arg6[%dma_start3A_197, %dma_start3A_198, %dma_start3A_199, %dma_start3A_200] : memref<2x16x50x32xf32, #tpu.memory_space<vmem>> -> memref<1x1x50x32xf32, #tpu.memory_space<vmem>>
      %dma_start3A_202 = tpu.memref_squeeze %dma_start3A_201 : memref<1x1x50x32xf32, #tpu.memory_space<vmem>> -> memref<50x32xf32, #tpu.memory_space<vmem>>
      %dma_start3A_203 = arith.constant 0 : i32
      %dma_start3A_204 = tpu.memref_slice %arg5[%dma_start3A_195, %dma_start3A_196, %dma_start3A_203] : memref<2x16x50xi32, #tpu.memory_space<vmem>> -> memref<1x1x50xi32, #tpu.memory_space<vmem>>
      %dma_start3A_205 = tpu.memref_squeeze %dma_start3A_204 : memref<1x1x50xi32, #tpu.memory_space<vmem>> -> memref<50xi32, #tpu.memory_space<vmem>>
      %dma_start3A_206 = arith.constant 0 : i32
      %dma_start3A_207 = arith.constant 0 : i32
      %dma_start3A_208 = tpu.memref_slice %arg3[%dma_start3A_206, %dma_start3A_207] : memref<1000000x32xf32, #tpu.memory_space<hbm>> -> memref<1000000x32xf32, #tpu.memory_space<hbm>>
      tpu.enqueue_indirect_dma source(%dma_start3A_208 : memref<1000000x32xf32, #tpu.memory_space<hbm>>) target(%dma_start3A_202 : memref<50x32xf32, #tpu.memory_space<vmem>>) offsets(%dma_start3A_205 : memref<50xi32, #tpu.memory_space<vmem>>) semaphore(%arg9 : memref<!tpu.dma_semaphore, #tpu.memory_space<semaphore_mem>>)
      %dma_start3A_209 = arith.constant 0 : i32
      %dma_start3A_210 = arith.constant 9 : i32
      %dma_start3A_211 = arith.constant 0 : i32
      %dma_start3A_212 = arith.constant 9 : i32
      %dma_start3A_213 = arith.constant 0 : i32
      %dma_start3A_214 = arith.constant 0 : i32
      %dma_start3A_215 = tpu.memref_slice %arg6[%dma_start3A_211, %dma_start3A_212, %dma_start3A_213, %dma_start3A_214] : memref<2x16x50x32xf32, #tpu.memory_space<vmem>> -> memref<1x1x50x32xf32, #tpu.memory_space<vmem>>
      %dma_start3A_216 = tpu.memref_squeeze %dma_start3A_215 : memref<1x1x50x32xf32, #tpu.memory_space<vmem>> -> memref<50x32xf32, #tpu.memory_space<vmem>>
      %dma_start3A_217 = arith.constant 0 : i32
      %dma_start3A_218 = tpu.memref_slice %arg5[%dma_start3A_209, %dma_start3A_210, %dma_start3A_217] : memref<2x16x50xi32, #tpu.memory_space<vmem>> -> memref<1x1x50xi32, #tpu.memory_space<vmem>>
      %dma_start3A_219 = tpu.memref_squeeze %dma_start3A_218 : memref<1x1x50xi32, #tpu.memory_space<vmem>> -> memref<50xi32, #tpu.memory_space<vmem>>
      %dma_start3A_220 = arith.constant 0 : i32
      %dma_start3A_221 = arith.constant 0 : i32
      %dma_start3A_222 = tpu.memref_slice %arg3[%dma_start3A_220, %dma_start3A_221] : memref<1000000x32xf32, #tpu.memory_space<hbm>> -> memref<1000000x32xf32, #tpu.memory_space<hbm>>
      tpu.enqueue_indirect_dma source(%dma_start3A_222 : memref<1000000x32xf32, #tpu.memory_space<hbm>>) target(%dma_start3A_216 : memref<50x32xf32, #tpu.memory_space<vmem>>) offsets(%dma_start3A_219 : memref<50xi32, #tpu.memory_space<vmem>>) semaphore(%arg9 : memref<!tpu.dma_semaphore, #tpu.memory_space<semaphore_mem>>)
      %dma_start3A_223 = arith.constant 0 : i32
      %dma_start3A_224 = arith.constant 10 : i32
      %dma_start3A_225 = arith.constant 0 : i32
      %dma_start3A_226 = arith.constant 10 : i32
      %dma_start3A_227 = arith.constant 0 : i32
      %dma_start3A_228 = arith.constant 0 : i32
      %dma_start3A_229 = tpu.memref_slice %arg6[%dma_start3A_225, %dma_start3A_226, %dma_start3A_227, %dma_start3A_228] : memref<2x16x50x32xf32, #tpu.memory_space<vmem>> -> memref<1x1x50x32xf32, #tpu.memory_space<vmem>>
      %dma_start3A_230 = tpu.memref_squeeze %dma_start3A_229 : memref<1x1x50x32xf32, #tpu.memory_space<vmem>> -> memref<50x32xf32, #tpu.memory_space<vmem>>
      %dma_start3A_231 = arith.constant 0 : i32
      %dma_start3A_232 = tpu.memref_slice %arg5[%dma_start3A_223, %dma_start3A_224, %dma_start3A_231] : memref<2x16x50xi32, #tpu.memory_space<vmem>> -> memref<1x1x50xi32, #tpu.memory_space<vmem>>
      %dma_start3A_233 = tpu.memref_squeeze %dma_start3A_232 : memref<1x1x50xi32, #tpu.memory_space<vmem>> -> memref<50xi32, #tpu.memory_space<vmem>>
      %dma_start3A_234 = arith.constant 0 : i32
      %dma_start3A_235 = arith.constant 0 : i32
      %dma_start3A_236 = tpu.memref_slice %arg3[%dma_start3A_234, %dma_start3A_235] : memref<1000000x32xf32, #tpu.memory_space<hbm>> -> memref<1000000x32xf32, #tpu.memory_space<hbm>>
      tpu.enqueue_indirect_dma source(%dma_start3A_236 : memref<1000000x32xf32, #tpu.memory_space<hbm>>) target(%dma_start3A_230 : memref<50x32xf32, #tpu.memory_space<vmem>>) offsets(%dma_start3A_233 : memref<50xi32, #tpu.memory_space<vmem>>) semaphore(%arg9 : memref<!tpu.dma_semaphore, #tpu.memory_space<semaphore_mem>>)
      %dma_start3A_237 = arith.constant 0 : i32
      %dma_start3A_238 = arith.constant 11 : i32
      %dma_start3A_239 = arith.constant 0 : i32
      %dma_start3A_240 = arith.constant 11 : i32
      %dma_start3A_241 = arith.constant 0 : i32
      %dma_start3A_242 = arith.constant 0 : i32
      %dma_start3A_243 = tpu.memref_slice %arg6[%dma_start3A_239, %dma_start3A_240, %dma_start3A_241, %dma_start3A_242] : memref<2x16x50x32xf32, #tpu.memory_space<vmem>> -> memref<1x1x50x32xf32, #tpu.memory_space<vmem>>
      %dma_start3A_244 = tpu.memref_squeeze %dma_start3A_243 : memref<1x1x50x32xf32, #tpu.memory_space<vmem>> -> memref<50x32xf32, #tpu.memory_space<vmem>>
      %dma_start3A_245 = arith.constant 0 : i32
      %dma_start3A_246 = tpu.memref_slice %arg5[%dma_start3A_237, %dma_start3A_238, %dma_start3A_245] : memref<2x16x50xi32, #tpu.memory_space<vmem>> -> memref<1x1x50xi32, #tpu.memory_space<vmem>>
      %dma_start3A_247 = tpu.memref_squeeze %dma_start3A_246 : memref<1x1x50xi32, #tpu.memory_space<vmem>> -> memref<50xi32, #tpu.memory_space<vmem>>
      %dma_start3A_248 = arith.constant 0 : i32
      %dma_start3A_249 = arith.constant 0 : i32
      %dma_start3A_250 = tpu.memref_slice %arg3[%dma_start3A_248, %dma_start3A_249] : memref<1000000x32xf32, #tpu.memory_space<hbm>> -> memref<1000000x32xf32, #tpu.memory_space<hbm>>
      tpu.enqueue_indirect_dma source(%dma_start3A_250 : memref<1000000x32xf32, #tpu.memory_space<hbm>>) target(%dma_start3A_244 : memref<50x32xf32, #tpu.memory_space<vmem>>) offsets(%dma_start3A_247 : memref<50xi32, #tpu.memory_space<vmem>>) semaphore(%arg9 : memref<!tpu.dma_semaphore, #tpu.memory_space<semaphore_mem>>)
      %dma_start3A_251 = arith.constant 0 : i32
      %dma_start3A_252 = arith.constant 12 : i32
      %dma_start3A_253 = arith.constant 0 : i32
      %dma_start3A_254 = arith.constant 12 : i32
      %dma_start3A_255 = arith.constant 0 : i32
      %dma_start3A_256 = arith.constant 0 : i32
      %dma_start3A_257 = tpu.memref_slice %arg6[%dma_start3A_253, %dma_start3A_254, %dma_start3A_255, %dma_start3A_256] : memref<2x16x50x32xf32, #tpu.memory_space<vmem>> -> memref<1x1x50x32xf32, #tpu.memory_space<vmem>>
      %dma_start3A_258 = tpu.memref_squeeze %dma_start3A_257 : memref<1x1x50x32xf32, #tpu.memory_space<vmem>> -> memref<50x32xf32, #tpu.memory_space<vmem>>
      %dma_start3A_259 = arith.constant 0 : i32
      %dma_start3A_260 = tpu.memref_slice %arg5[%dma_start3A_251, %dma_start3A_252, %dma_start3A_259] : memref<2x16x50xi32, #tpu.memory_space<vmem>> -> memref<1x1x50xi32, #tpu.memory_space<vmem>>
      %dma_start3A_261 = tpu.memref_squeeze %dma_start3A_260 : memref<1x1x50xi32, #tpu.memory_space<vmem>> -> memref<50xi32, #tpu.memory_space<vmem>>
      %dma_start3A_262 = arith.constant 0 : i32
      %dma_start3A_263 = arith.constant 0 : i32
      %dma_start3A_264 = tpu.memref_slice %arg3[%dma_start3A_262, %dma_start3A_263] : memref<1000000x32xf32, #tpu.memory_space<hbm>> -> memref<1000000x32xf32, #tpu.memory_space<hbm>>
      tpu.enqueue_indirect_dma source(%dma_start3A_264 : memref<1000000x32xf32, #tpu.memory_space<hbm>>) target(%dma_start3A_258 : memref<50x32xf32, #tpu.memory_space<vmem>>) offsets(%dma_start3A_261 : memref<50xi32, #tpu.memory_space<vmem>>) semaphore(%arg9 : memref<!tpu.dma_semaphore, #tpu.memory_space<semaphore_mem>>)
      %dma_start3A_265 = arith.constant 0 : i32
      %dma_start3A_266 = arith.constant 13 : i32
      %dma_start3A_267 = arith.constant 0 : i32
      %dma_start3A_268 = arith.constant 13 : i32
      %dma_start3A_269 = arith.constant 0 : i32
      %dma_start3A_270 = arith.constant 0 : i32
      %dma_start3A_271 = tpu.memref_slice %arg6[%dma_start3A_267, %dma_start3A_268, %dma_start3A_269, %dma_start3A_270] : memref<2x16x50x32xf32, #tpu.memory_space<vmem>> -> memref<1x1x50x32xf32, #tpu.memory_space<vmem>>
      %dma_start3A_272 = tpu.memref_squeeze %dma_start3A_271 : memref<1x1x50x32xf32, #tpu.memory_space<vmem>> -> memref<50x32xf32, #tpu.memory_space<vmem>>
      %dma_start3A_273 = arith.constant 0 : i32
      %dma_start3A_274 = tpu.memref_slice %arg5[%dma_start3A_265, %dma_start3A_266, %dma_start3A_273] : memref<2x16x50xi32, #tpu.memory_space<vmem>> -> memref<1x1x50xi32, #tpu.memory_space<vmem>>
      %dma_start3A_275 = tpu.memref_squeeze %dma_start3A_274 : memref<1x1x50xi32, #tpu.memory_space<vmem>> -> memref<50xi32, #tpu.memory_space<vmem>>
      %dma_start3A_276 = arith.constant 0 : i32
      %dma_start3A_277 = arith.constant 0 : i32
      %dma_start3A_278 = tpu.memref_slice %arg3[%dma_start3A_276, %dma_start3A_277] : memref<1000000x32xf32, #tpu.memory_space<hbm>> -> memref<1000000x32xf32, #tpu.memory_space<hbm>>
      tpu.enqueue_indirect_dma source(%dma_start3A_278 : memref<1000000x32xf32, #tpu.memory_space<hbm>>) target(%dma_start3A_272 : memref<50x32xf32, #tpu.memory_space<vmem>>) offsets(%dma_start3A_275 : memref<50xi32, #tpu.memory_space<vmem>>) semaphore(%arg9 : memref<!tpu.dma_semaphore, #tpu.memory_space<semaphore_mem>>)
      %dma_start3A_279 = arith.constant 0 : i32
      %dma_start3A_280 = arith.constant 14 : i32
      %dma_start3A_281 = arith.constant 0 : i32
      %dma_start3A_282 = arith.constant 14 : i32
      %dma_start3A_283 = arith.constant 0 : i32
      %dma_start3A_284 = arith.constant 0 : i32
      %dma_start3A_285 = tpu.memref_slice %arg6[%dma_start3A_281, %dma_start3A_282, %dma_start3A_283, %dma_start3A_284] : memref<2x16x50x32xf32, #tpu.memory_space<vmem>> -> memref<1x1x50x32xf32, #tpu.memory_space<vmem>>
      %dma_start3A_286 = tpu.memref_squeeze %dma_start3A_285 : memref<1x1x50x32xf32, #tpu.memory_space<vmem>> -> memref<50x32xf32, #tpu.memory_space<vmem>>
      %dma_start3A_287 = arith.constant 0 : i32
      %dma_start3A_288 = tpu.memref_slice %arg5[%dma_start3A_279, %dma_start3A_280, %dma_start3A_287] : memref<2x16x50xi32, #tpu.memory_space<vmem>> -> memref<1x1x50xi32, #tpu.memory_space<vmem>>
      %dma_start3A_289 = tpu.memref_squeeze %dma_start3A_288 : memref<1x1x50xi32, #tpu.memory_space<vmem>> -> memref<50xi32, #tpu.memory_space<vmem>>
      %dma_start3A_290 = arith.constant 0 : i32
      %dma_start3A_291 = arith.constant 0 : i32
      %dma_start3A_292 = tpu.memref_slice %arg3[%dma_start3A_290, %dma_start3A_291] : memref<1000000x32xf32, #tpu.memory_space<hbm>> -> memref<1000000x32xf32, #tpu.memory_space<hbm>>
      tpu.enqueue_indirect_dma source(%dma_start3A_292 : memref<1000000x32xf32, #tpu.memory_space<hbm>>) target(%dma_start3A_286 : memref<50x32xf32, #tpu.memory_space<vmem>>) offsets(%dma_start3A_289 : memref<50xi32, #tpu.memory_space<vmem>>) semaphore(%arg9 : memref<!tpu.dma_semaphore, #tpu.memory_space<semaphore_mem>>)
      %dma_start3A_293 = arith.constant 0 : i32
      %dma_start3A_294 = arith.constant 15 : i32
      %dma_start3A_295 = arith.constant 0 : i32
      %dma_start3A_296 = arith.constant 15 : i32
      %dma_start3A_297 = arith.constant 0 : i32
      %dma_start3A_298 = arith.constant 0 : i32
      %dma_start3A_299 = tpu.memref_slice %arg6[%dma_start3A_295, %dma_start3A_296, %dma_start3A_297, %dma_start3A_298] : memref<2x16x50x32xf32, #tpu.memory_space<vmem>> -> memref<1x1x50x32xf32, #tpu.memory_space<vmem>>
      %dma_start3A_300 = tpu.memref_squeeze %dma_start3A_299 : memref<1x1x50x32xf32, #tpu.memory_space<vmem>> -> memref<50x32xf32, #tpu.memory_space<vmem>>
      %dma_start3A_301 = arith.constant 0 : i32
      %dma_start3A_302 = tpu.memref_slice %arg5[%dma_start3A_293, %dma_start3A_294, %dma_start3A_301] : memref<2x16x50xi32, #tpu.memory_space<vmem>> -> memref<1x1x50xi32, #tpu.memory_space<vmem>>
      %dma_start3A_303 = tpu.memref_squeeze %dma_start3A_302 : memref<1x1x50xi32, #tpu.memory_space<vmem>> -> memref<50xi32, #tpu.memory_space<vmem>>
      %dma_start3A_304 = arith.constant 0 : i32
      %dma_start3A_305 = arith.constant 0 : i32
      %dma_start3A_306 = tpu.memref_slice %arg3[%dma_start3A_304, %dma_start3A_305] : memref<1000000x32xf32, #tpu.memory_space<hbm>> -> memref<1000000x32xf32, #tpu.memory_space<hbm>>
      tpu.enqueue_indirect_dma source(%dma_start3A_306 : memref<1000000x32xf32, #tpu.memory_space<hbm>>) target(%dma_start3A_300 : memref<50x32xf32, #tpu.memory_space<vmem>>) offsets(%dma_start3A_303 : memref<50xi32, #tpu.memory_space<vmem>>) semaphore(%arg9 : memref<!tpu.dma_semaphore, #tpu.memory_space<semaphore_mem>>)
      %add3A_307 = arith.constant 1 : i32
      %add3A_308 = arith.addi %add3A_64, %add3A_307 : i32
      %lt3A = arith.constant 32 : i32
      %lt3A_309 = arith.cmpi slt, %add3A_308, %lt3A : i32
      %convert_element_type3A_310 = arith.extui %lt3A_309 : i1 to i32
      %cond3A_311 = arith.constant 0 : i32
      %cond3A_312 = arith.cmpi ne, %convert_element_type3A_310, %cond3A_311 : i32
      scf.if %cond3A_312 {
        %add3A_1053 = arith.constant 1 : i32
        %add3A_1054 = arith.addi %add3A_65, %add3A_1053 : i32
        %mul3A_1055 = arith.constant 16 : i32
        %mul3A_1056 = arith.muli %add3A_1054, %mul3A_1055 : i32
        %dma_start3A_1057 = arith.constant 1 : i32
        %dma_start3A_1058 = arith.constant 0 : i32
        %dma_start3A_1059 = arith.constant 0 : i32
        %dma_start3A_1060 = tpu.memref_slice %arg5[%dma_start3A_1057, %dma_start3A_1058, %dma_start3A_1059] : memref<2x16x50xi32, #tpu.memory_space<vmem>> -> memref<1x16x50xi32, #tpu.memory_space<vmem>>
        %dma_start3A_1061 = tpu.memref_squeeze %dma_start3A_1060 : memref<1x16x50xi32, #tpu.memory_space<vmem>> -> memref<16x50xi32, #tpu.memory_space<vmem>>
        %dma_start3A_1062 = arith.constant 0 : i32
        %dma_start3A_1063 = tpu.memref_slice %arg2[%mul3A_1056, %dma_start3A_1062] : memref<16384x50xi32, #tpu.memory_space<hbm>> -> memref<16x50xi32, #tpu.memory_space<hbm>>
        %dma_start3A_1064 = arith.constant 0 : i32
        %dma_start3A_1065 = arith.constant 0 : i32
        %dma_start3A_1066 = tpu.memref_slice %arg5[%dma_start3A_1057, %dma_start3A_1064, %dma_start3A_1065] : memref<2x16x50xi32, #tpu.memory_space<vmem>> -> memref<1x16x50xi32, #tpu.memory_space<vmem>>
        %dma_start3A_1067 = tpu.memref_squeeze %dma_start3A_1066 : memref<1x16x50xi32, #tpu.memory_space<vmem>> -> memref<16x50xi32, #tpu.memory_space<vmem>>
        %dma_start3A_1068 = arith.constant 0 : i32
        %dma_start3A_1069 = tpu.memref_slice %arg2[%mul3A_1056, %dma_start3A_1068] : memref<16384x50xi32, #tpu.memory_space<hbm>> -> memref<16x50xi32, #tpu.memory_space<hbm>>
        tpu.enqueue_dma source(%dma_start3A_1069 : memref<16x50xi32, #tpu.memory_space<hbm>>) target(%dma_start3A_1067 : memref<16x50xi32, #tpu.memory_space<vmem>>) target_semaphore(%arg8 : memref<!tpu.dma_semaphore, #tpu.memory_space<semaphore_mem>>)
      } else {
      }
      %dma_wait3A_313 = arith.constant 0 : i32
      %dma_wait3A_314 = arith.constant 0 : i32
      %dma_wait3A_315 = arith.constant 0 : i32
      %dma_wait3A_316 = arith.constant 0 : i32
      %dma_wait3A_317 = arith.constant 0 : i32
      %dma_wait3A_318 = arith.constant 0 : i32
      %dma_wait3A_319 = tpu.memref_slice %arg6[%dma_wait3A_315, %dma_wait3A_316, %dma_wait3A_317, %dma_wait3A_318] : memref<2x16x50x32xf32, #tpu.memory_space<vmem>> -> memref<1x1x50x32xf32, #tpu.memory_space<vmem>>
      %dma_wait3A_320 = tpu.memref_squeeze %dma_wait3A_319 : memref<1x1x50x32xf32, #tpu.memory_space<vmem>> -> memref<50x32xf32, #tpu.memory_space<vmem>>
      %dma_wait3A_321 = arith.constant 0 : i32
      %dma_wait3A_322 = tpu.memref_slice %arg5[%dma_wait3A_313, %dma_wait3A_314, %dma_wait3A_321] : memref<2x16x50xi32, #tpu.memory_space<vmem>> -> memref<1x1x50xi32, #tpu.memory_space<vmem>>
      %dma_wait3A_323 = tpu.memref_squeeze %dma_wait3A_322 : memref<1x1x50xi32, #tpu.memory_space<vmem>> -> memref<50xi32, #tpu.memory_space<vmem>>
      %dma_wait3A_324 = arith.constant 0 : i32
      %dma_wait3A_325 = arith.constant 0 : i32
      %dma_wait3A_326 = tpu.memref_slice %arg3[%dma_wait3A_324, %dma_wait3A_325] : memref<1000000x32xf32, #tpu.memory_space<hbm>> -> memref<1000000x32xf32, #tpu.memory_space<hbm>>
      tpu.wait_indirect_dma semaphore(%arg9 : memref<!tpu.dma_semaphore, #tpu.memory_space<semaphore_mem>>) src(%dma_wait3A_326 : memref<1000000x32xf32, #tpu.memory_space<hbm>>) dst(%dma_wait3A_320 : memref<50x32xf32, #tpu.memory_space<vmem>>)
      %dma_wait3A_327 = arith.constant 0 : i32
      %dma_wait3A_328 = arith.constant 1 : i32
      %dma_wait3A_329 = arith.constant 0 : i32
      %dma_wait3A_330 = arith.constant 1 : i32
      %dma_wait3A_331 = arith.constant 0 : i32
      %dma_wait3A_332 = arith.constant 0 : i32
      %dma_wait3A_333 = tpu.memref_slice %arg6[%dma_wait3A_329, %dma_wait3A_330, %dma_wait3A_331, %dma_wait3A_332] : memref<2x16x50x32xf32, #tpu.memory_space<vmem>> -> memref<1x1x50x32xf32, #tpu.memory_space<vmem>>
      %dma_wait3A_334 = tpu.memref_squeeze %dma_wait3A_333 : memref<1x1x50x32xf32, #tpu.memory_space<vmem>> -> memref<50x32xf32, #tpu.memory_space<vmem>>
      %dma_wait3A_335 = arith.constant 0 : i32
      %dma_wait3A_336 = tpu.memref_slice %arg5[%dma_wait3A_327, %dma_wait3A_328, %dma_wait3A_335] : memref<2x16x50xi32, #tpu.memory_space<vmem>> -> memref<1x1x50xi32, #tpu.memory_space<vmem>>
      %dma_wait3A_337 = tpu.memref_squeeze %dma_wait3A_336 : memref<1x1x50xi32, #tpu.memory_space<vmem>> -> memref<50xi32, #tpu.memory_space<vmem>>
      %dma_wait3A_338 = arith.constant 0 : i32
      %dma_wait3A_339 = arith.constant 0 : i32
      %dma_wait3A_340 = tpu.memref_slice %arg3[%dma_wait3A_338, %dma_wait3A_339] : memref<1000000x32xf32, #tpu.memory_space<hbm>> -> memref<1000000x32xf32, #tpu.memory_space<hbm>>
      tpu.wait_indirect_dma semaphore(%arg9 : memref<!tpu.dma_semaphore, #tpu.memory_space<semaphore_mem>>) src(%dma_wait3A_340 : memref<1000000x32xf32, #tpu.memory_space<hbm>>) dst(%dma_wait3A_334 : memref<50x32xf32, #tpu.memory_space<vmem>>)
      %dma_wait3A_341 = arith.constant 0 : i32
      %dma_wait3A_342 = arith.constant 2 : i32
      %dma_wait3A_343 = arith.constant 0 : i32
      %dma_wait3A_344 = arith.constant 2 : i32
      %dma_wait3A_345 = arith.constant 0 : i32
      %dma_wait3A_346 = arith.constant 0 : i32
      %dma_wait3A_347 = tpu.memref_slice %arg6[%dma_wait3A_343, %dma_wait3A_344, %dma_wait3A_345, %dma_wait3A_346] : memref<2x16x50x32xf32, #tpu.memory_space<vmem>> -> memref<1x1x50x32xf32, #tpu.memory_space<vmem>>
      %dma_wait3A_348 = tpu.memref_squeeze %dma_wait3A_347 : memref<1x1x50x32xf32, #tpu.memory_space<vmem>> -> memref<50x32xf32, #tpu.memory_space<vmem>>
      %dma_wait3A_349 = arith.constant 0 : i32
      %dma_wait3A_350 = tpu.memref_slice %arg5[%dma_wait3A_341, %dma_wait3A_342, %dma_wait3A_349] : memref<2x16x50xi32, #tpu.memory_space<vmem>> -> memref<1x1x50xi32, #tpu.memory_space<vmem>>
      %dma_wait3A_351 = tpu.memref_squeeze %dma_wait3A_350 : memref<1x1x50xi32, #tpu.memory_space<vmem>> -> memref<50xi32, #tpu.memory_space<vmem>>
      %dma_wait3A_352 = arith.constant 0 : i32
      %dma_wait3A_353 = arith.constant 0 : i32
      %dma_wait3A_354 = tpu.memref_slice %arg3[%dma_wait3A_352, %dma_wait3A_353] : memref<1000000x32xf32, #tpu.memory_space<hbm>> -> memref<1000000x32xf32, #tpu.memory_space<hbm>>
      tpu.wait_indirect_dma semaphore(%arg9 : memref<!tpu.dma_semaphore, #tpu.memory_space<semaphore_mem>>) src(%dma_wait3A_354 : memref<1000000x32xf32, #tpu.memory_space<hbm>>) dst(%dma_wait3A_348 : memref<50x32xf32, #tpu.memory_space<vmem>>)
      %dma_wait3A_355 = arith.constant 0 : i32
      %dma_wait3A_356 = arith.constant 3 : i32
      %dma_wait3A_357 = arith.constant 0 : i32
      %dma_wait3A_358 = arith.constant 3 : i32
      %dma_wait3A_359 = arith.constant 0 : i32
      %dma_wait3A_360 = arith.constant 0 : i32
      %dma_wait3A_361 = tpu.memref_slice %arg6[%dma_wait3A_357, %dma_wait3A_358, %dma_wait3A_359, %dma_wait3A_360] : memref<2x16x50x32xf32, #tpu.memory_space<vmem>> -> memref<1x1x50x32xf32, #tpu.memory_space<vmem>>
      %dma_wait3A_362 = tpu.memref_squeeze %dma_wait3A_361 : memref<1x1x50x32xf32, #tpu.memory_space<vmem>> -> memref<50x32xf32, #tpu.memory_space<vmem>>
      %dma_wait3A_363 = arith.constant 0 : i32
      %dma_wait3A_364 = tpu.memref_slice %arg5[%dma_wait3A_355, %dma_wait3A_356, %dma_wait3A_363] : memref<2x16x50xi32, #tpu.memory_space<vmem>> -> memref<1x1x50xi32, #tpu.memory_space<vmem>>
      %dma_wait3A_365 = tpu.memref_squeeze %dma_wait3A_364 : memref<1x1x50xi32, #tpu.memory_space<vmem>> -> memref<50xi32, #tpu.memory_space<vmem>>
      %dma_wait3A_366 = arith.constant 0 : i32
      %dma_wait3A_367 = arith.constant 0 : i32
      %dma_wait3A_368 = tpu.memref_slice %arg3[%dma_wait3A_366, %dma_wait3A_367] : memref<1000000x32xf32, #tpu.memory_space<hbm>> -> memref<1000000x32xf32, #tpu.memory_space<hbm>>
      tpu.wait_indirect_dma semaphore(%arg9 : memref<!tpu.dma_semaphore, #tpu.memory_space<semaphore_mem>>) src(%dma_wait3A_368 : memref<1000000x32xf32, #tpu.memory_space<hbm>>) dst(%dma_wait3A_362 : memref<50x32xf32, #tpu.memory_space<vmem>>)
      %dma_wait3A_369 = arith.constant 0 : i32
      %dma_wait3A_370 = arith.constant 4 : i32
      %dma_wait3A_371 = arith.constant 0 : i32
      %dma_wait3A_372 = arith.constant 4 : i32
      %dma_wait3A_373 = arith.constant 0 : i32
      %dma_wait3A_374 = arith.constant 0 : i32
      %dma_wait3A_375 = tpu.memref_slice %arg6[%dma_wait3A_371, %dma_wait3A_372, %dma_wait3A_373, %dma_wait3A_374] : memref<2x16x50x32xf32, #tpu.memory_space<vmem>> -> memref<1x1x50x32xf32, #tpu.memory_space<vmem>>
      %dma_wait3A_376 = tpu.memref_squeeze %dma_wait3A_375 : memref<1x1x50x32xf32, #tpu.memory_space<vmem>> -> memref<50x32xf32, #tpu.memory_space<vmem>>
      %dma_wait3A_377 = arith.constant 0 : i32
      %dma_wait3A_378 = tpu.memref_slice %arg5[%dma_wait3A_369, %dma_wait3A_370, %dma_wait3A_377] : memref<2x16x50xi32, #tpu.memory_space<vmem>> -> memref<1x1x50xi32, #tpu.memory_space<vmem>>
      %dma_wait3A_379 = tpu.memref_squeeze %dma_wait3A_378 : memref<1x1x50xi32, #tpu.memory_space<vmem>> -> memref<50xi32, #tpu.memory_space<vmem>>
      %dma_wait3A_380 = arith.constant 0 : i32
      %dma_wait3A_381 = arith.constant 0 : i32
      %dma_wait3A_382 = tpu.memref_slice %arg3[%dma_wait3A_380, %dma_wait3A_381] : memref<1000000x32xf32, #tpu.memory_space<hbm>> -> memref<1000000x32xf32, #tpu.memory_space<hbm>>
      tpu.wait_indirect_dma semaphore(%arg9 : memref<!tpu.dma_semaphore, #tpu.memory_space<semaphore_mem>>) src(%dma_wait3A_382 : memref<1000000x32xf32, #tpu.memory_space<hbm>>) dst(%dma_wait3A_376 : memref<50x32xf32, #tpu.memory_space<vmem>>)
      %dma_wait3A_383 = arith.constant 0 : i32
      %dma_wait3A_384 = arith.constant 5 : i32
      %dma_wait3A_385 = arith.constant 0 : i32
      %dma_wait3A_386 = arith.constant 5 : i32
      %dma_wait3A_387 = arith.constant 0 : i32
      %dma_wait3A_388 = arith.constant 0 : i32
      %dma_wait3A_389 = tpu.memref_slice %arg6[%dma_wait3A_385, %dma_wait3A_386, %dma_wait3A_387, %dma_wait3A_388] : memref<2x16x50x32xf32, #tpu.memory_space<vmem>> -> memref<1x1x50x32xf32, #tpu.memory_space<vmem>>
      %dma_wait3A_390 = tpu.memref_squeeze %dma_wait3A_389 : memref<1x1x50x32xf32, #tpu.memory_space<vmem>> -> memref<50x32xf32, #tpu.memory_space<vmem>>
      %dma_wait3A_391 = arith.constant 0 : i32
      %dma_wait3A_392 = tpu.memref_slice %arg5[%dma_wait3A_383, %dma_wait3A_384, %dma_wait3A_391] : memref<2x16x50xi32, #tpu.memory_space<vmem>> -> memref<1x1x50xi32, #tpu.memory_space<vmem>>
      %dma_wait3A_393 = tpu.memref_squeeze %dma_wait3A_392 : memref<1x1x50xi32, #tpu.memory_space<vmem>> -> memref<50xi32, #tpu.memory_space<vmem>>
      %dma_wait3A_394 = arith.constant 0 : i32
      %dma_wait3A_395 = arith.constant 0 : i32
      %dma_wait3A_396 = tpu.memref_slice %arg3[%dma_wait3A_394, %dma_wait3A_395] : memref<1000000x32xf32, #tpu.memory_space<hbm>> -> memref<1000000x32xf32, #tpu.memory_space<hbm>>
      tpu.wait_indirect_dma semaphore(%arg9 : memref<!tpu.dma_semaphore, #tpu.memory_space<semaphore_mem>>) src(%dma_wait3A_396 : memref<1000000x32xf32, #tpu.memory_space<hbm>>) dst(%dma_wait3A_390 : memref<50x32xf32, #tpu.memory_space<vmem>>)
      %dma_wait3A_397 = arith.constant 0 : i32
      %dma_wait3A_398 = arith.constant 6 : i32
      %dma_wait3A_399 = arith.constant 0 : i32
      %dma_wait3A_400 = arith.constant 6 : i32
      %dma_wait3A_401 = arith.constant 0 : i32
      %dma_wait3A_402 = arith.constant 0 : i32
      %dma_wait3A_403 = tpu.memref_slice %arg6[%dma_wait3A_399, %dma_wait3A_400, %dma_wait3A_401, %dma_wait3A_402] : memref<2x16x50x32xf32, #tpu.memory_space<vmem>> -> memref<1x1x50x32xf32, #tpu.memory_space<vmem>>
      %dma_wait3A_404 = tpu.memref_squeeze %dma_wait3A_403 : memref<1x1x50x32xf32, #tpu.memory_space<vmem>> -> memref<50x32xf32, #tpu.memory_space<vmem>>
      %dma_wait3A_405 = arith.constant 0 : i32
      %dma_wait3A_406 = tpu.memref_slice %arg5[%dma_wait3A_397, %dma_wait3A_398, %dma_wait3A_405] : memref<2x16x50xi32, #tpu.memory_space<vmem>> -> memref<1x1x50xi32, #tpu.memory_space<vmem>>
      %dma_wait3A_407 = tpu.memref_squeeze %dma_wait3A_406 : memref<1x1x50xi32, #tpu.memory_space<vmem>> -> memref<50xi32, #tpu.memory_space<vmem>>
      %dma_wait3A_408 = arith.constant 0 : i32
      %dma_wait3A_409 = arith.constant 0 : i32
      %dma_wait3A_410 = tpu.memref_slice %arg3[%dma_wait3A_408, %dma_wait3A_409] : memref<1000000x32xf32, #tpu.memory_space<hbm>> -> memref<1000000x32xf32, #tpu.memory_space<hbm>>
      tpu.wait_indirect_dma semaphore(%arg9 : memref<!tpu.dma_semaphore, #tpu.memory_space<semaphore_mem>>) src(%dma_wait3A_410 : memref<1000000x32xf32, #tpu.memory_space<hbm>>) dst(%dma_wait3A_404 : memref<50x32xf32, #tpu.memory_space<vmem>>)
      %dma_wait3A_411 = arith.constant 0 : i32
      %dma_wait3A_412 = arith.constant 7 : i32
      %dma_wait3A_413 = arith.constant 0 : i32
      %dma_wait3A_414 = arith.constant 7 : i32
      %dma_wait3A_415 = arith.constant 0 : i32
      %dma_wait3A_416 = arith.constant 0 : i32
      %dma_wait3A_417 = tpu.memref_slice %arg6[%dma_wait3A_413, %dma_wait3A_414, %dma_wait3A_415, %dma_wait3A_416] : memref<2x16x50x32xf32, #tpu.memory_space<vmem>> -> memref<1x1x50x32xf32, #tpu.memory_space<vmem>>
      %dma_wait3A_418 = tpu.memref_squeeze %dma_wait3A_417 : memref<1x1x50x32xf32, #tpu.memory_space<vmem>> -> memref<50x32xf32, #tpu.memory_space<vmem>>
      %dma_wait3A_419 = arith.constant 0 : i32
      %dma_wait3A_420 = tpu.memref_slice %arg5[%dma_wait3A_411, %dma_wait3A_412, %dma_wait3A_419] : memref<2x16x50xi32, #tpu.memory_space<vmem>> -> memref<1x1x50xi32, #tpu.memory_space<vmem>>
      %dma_wait3A_421 = tpu.memref_squeeze %dma_wait3A_420 : memref<1x1x50xi32, #tpu.memory_space<vmem>> -> memref<50xi32, #tpu.memory_space<vmem>>
      %dma_wait3A_422 = arith.constant 0 : i32
      %dma_wait3A_423 = arith.constant 0 : i32
      %dma_wait3A_424 = tpu.memref_slice %arg3[%dma_wait3A_422, %dma_wait3A_423] : memref<1000000x32xf32, #tpu.memory_space<hbm>> -> memref<1000000x32xf32, #tpu.memory_space<hbm>>
      tpu.wait_indirect_dma semaphore(%arg9 : memref<!tpu.dma_semaphore, #tpu.memory_space<semaphore_mem>>) src(%dma_wait3A_424 : memref<1000000x32xf32, #tpu.memory_space<hbm>>) dst(%dma_wait3A_418 : memref<50x32xf32, #tpu.memory_space<vmem>>)
      %dma_wait3A_425 = arith.constant 0 : i32
      %dma_wait3A_426 = arith.constant 8 : i32
      %dma_wait3A_427 = arith.constant 0 : i32
      %dma_wait3A_428 = arith.constant 8 : i32
      %dma_wait3A_429 = arith.constant 0 : i32
      %dma_wait3A_430 = arith.constant 0 : i32
      %dma_wait3A_431 = tpu.memref_slice %arg6[%dma_wait3A_427, %dma_wait3A_428, %dma_wait3A_429, %dma_wait3A_430] : memref<2x16x50x32xf32, #tpu.memory_space<vmem>> -> memref<1x1x50x32xf32, #tpu.memory_space<vmem>>
      %dma_wait3A_432 = tpu.memref_squeeze %dma_wait3A_431 : memref<1x1x50x32xf32, #tpu.memory_space<vmem>> -> memref<50x32xf32, #tpu.memory_space<vmem>>
      %dma_wait3A_433 = arith.constant 0 : i32
      %dma_wait3A_434 = tpu.memref_slice %arg5[%dma_wait3A_425, %dma_wait3A_426, %dma_wait3A_433] : memref<2x16x50xi32, #tpu.memory_space<vmem>> -> memref<1x1x50xi32, #tpu.memory_space<vmem>>
      %dma_wait3A_435 = tpu.memref_squeeze %dma_wait3A_434 : memref<1x1x50xi32, #tpu.memory_space<vmem>> -> memref<50xi32, #tpu.memory_space<vmem>>
      %dma_wait3A_436 = arith.constant 0 : i32
      %dma_wait3A_437 = arith.constant 0 : i32
      %dma_wait3A_438 = tpu.memref_slice %arg3[%dma_wait3A_436, %dma_wait3A_437] : memref<1000000x32xf32, #tpu.memory_space<hbm>> -> memref<1000000x32xf32, #tpu.memory_space<hbm>>
      tpu.wait_indirect_dma semaphore(%arg9 : memref<!tpu.dma_semaphore, #tpu.memory_space<semaphore_mem>>) src(%dma_wait3A_438 : memref<1000000x32xf32, #tpu.memory_space<hbm>>) dst(%dma_wait3A_432 : memref<50x32xf32, #tpu.memory_space<vmem>>)
      %dma_wait3A_439 = arith.constant 0 : i32
      %dma_wait3A_440 = arith.constant 9 : i32
      %dma_wait3A_441 = arith.constant 0 : i32
      %dma_wait3A_442 = arith.constant 9 : i32
      %dma_wait3A_443 = arith.constant 0 : i32
      %dma_wait3A_444 = arith.constant 0 : i32
      %dma_wait3A_445 = tpu.memref_slice %arg6[%dma_wait3A_441, %dma_wait3A_442, %dma_wait3A_443, %dma_wait3A_444] : memref<2x16x50x32xf32, #tpu.memory_space<vmem>> -> memref<1x1x50x32xf32, #tpu.memory_space<vmem>>
      %dma_wait3A_446 = tpu.memref_squeeze %dma_wait3A_445 : memref<1x1x50x32xf32, #tpu.memory_space<vmem>> -> memref<50x32xf32, #tpu.memory_space<vmem>>
      %dma_wait3A_447 = arith.constant 0 : i32
      %dma_wait3A_448 = tpu.memref_slice %arg5[%dma_wait3A_439, %dma_wait3A_440, %dma_wait3A_447] : memref<2x16x50xi32, #tpu.memory_space<vmem>> -> memref<1x1x50xi32, #tpu.memory_space<vmem>>
      %dma_wait3A_449 = tpu.memref_squeeze %dma_wait3A_448 : memref<1x1x50xi32, #tpu.memory_space<vmem>> -> memref<50xi32, #tpu.memory_space<vmem>>
      %dma_wait3A_450 = arith.constant 0 : i32
      %dma_wait3A_451 = arith.constant 0 : i32
      %dma_wait3A_452 = tpu.memref_slice %arg3[%dma_wait3A_450, %dma_wait3A_451] : memref<1000000x32xf32, #tpu.memory_space<hbm>> -> memref<1000000x32xf32, #tpu.memory_space<hbm>>
      tpu.wait_indirect_dma semaphore(%arg9 : memref<!tpu.dma_semaphore, #tpu.memory_space<semaphore_mem>>) src(%dma_wait3A_452 : memref<1000000x32xf32, #tpu.memory_space<hbm>>) dst(%dma_wait3A_446 : memref<50x32xf32, #tpu.memory_space<vmem>>)
      %dma_wait3A_453 = arith.constant 0 : i32
      %dma_wait3A_454 = arith.constant 10 : i32
      %dma_wait3A_455 = arith.constant 0 : i32
      %dma_wait3A_456 = arith.constant 10 : i32
      %dma_wait3A_457 = arith.constant 0 : i32
      %dma_wait3A_458 = arith.constant 0 : i32
      %dma_wait3A_459 = tpu.memref_slice %arg6[%dma_wait3A_455, %dma_wait3A_456, %dma_wait3A_457, %dma_wait3A_458] : memref<2x16x50x32xf32, #tpu.memory_space<vmem>> -> memref<1x1x50x32xf32, #tpu.memory_space<vmem>>
      %dma_wait3A_460 = tpu.memref_squeeze %dma_wait3A_459 : memref<1x1x50x32xf32, #tpu.memory_space<vmem>> -> memref<50x32xf32, #tpu.memory_space<vmem>>
      %dma_wait3A_461 = arith.constant 0 : i32
      %dma_wait3A_462 = tpu.memref_slice %arg5[%dma_wait3A_453, %dma_wait3A_454, %dma_wait3A_461] : memref<2x16x50xi32, #tpu.memory_space<vmem>> -> memref<1x1x50xi32, #tpu.memory_space<vmem>>
      %dma_wait3A_463 = tpu.memref_squeeze %dma_wait3A_462 : memref<1x1x50xi32, #tpu.memory_space<vmem>> -> memref<50xi32, #tpu.memory_space<vmem>>
      %dma_wait3A_464 = arith.constant 0 : i32
      %dma_wait3A_465 = arith.constant 0 : i32
      %dma_wait3A_466 = tpu.memref_slice %arg3[%dma_wait3A_464, %dma_wait3A_465] : memref<1000000x32xf32, #tpu.memory_space<hbm>> -> memref<1000000x32xf32, #tpu.memory_space<hbm>>
      tpu.wait_indirect_dma semaphore(%arg9 : memref<!tpu.dma_semaphore, #tpu.memory_space<semaphore_mem>>) src(%dma_wait3A_466 : memref<1000000x32xf32, #tpu.memory_space<hbm>>) dst(%dma_wait3A_460 : memref<50x32xf32, #tpu.memory_space<vmem>>)
      %dma_wait3A_467 = arith.constant 0 : i32
      %dma_wait3A_468 = arith.constant 11 : i32
      %dma_wait3A_469 = arith.constant 0 : i32
      %dma_wait3A_470 = arith.constant 11 : i32
      %dma_wait3A_471 = arith.constant 0 : i32
      %dma_wait3A_472 = arith.constant 0 : i32
      %dma_wait3A_473 = tpu.memref_slice %arg6[%dma_wait3A_469, %dma_wait3A_470, %dma_wait3A_471, %dma_wait3A_472] : memref<2x16x50x32xf32, #tpu.memory_space<vmem>> -> memref<1x1x50x32xf32, #tpu.memory_space<vmem>>
      %dma_wait3A_474 = tpu.memref_squeeze %dma_wait3A_473 : memref<1x1x50x32xf32, #tpu.memory_space<vmem>> -> memref<50x32xf32, #tpu.memory_space<vmem>>
      %dma_wait3A_475 = arith.constant 0 : i32
      %dma_wait3A_476 = tpu.memref_slice %arg5[%dma_wait3A_467, %dma_wait3A_468, %dma_wait3A_475] : memref<2x16x50xi32, #tpu.memory_space<vmem>> -> memref<1x1x50xi32, #tpu.memory_space<vmem>>
      %dma_wait3A_477 = tpu.memref_squeeze %dma_wait3A_476 : memref<1x1x50xi32, #tpu.memory_space<vmem>> -> memref<50xi32, #tpu.memory_space<vmem>>
      %dma_wait3A_478 = arith.constant 0 : i32
      %dma_wait3A_479 = arith.constant 0 : i32
      %dma_wait3A_480 = tpu.memref_slice %arg3[%dma_wait3A_478, %dma_wait3A_479] : memref<1000000x32xf32, #tpu.memory_space<hbm>> -> memref<1000000x32xf32, #tpu.memory_space<hbm>>
      tpu.wait_indirect_dma semaphore(%arg9 : memref<!tpu.dma_semaphore, #tpu.memory_space<semaphore_mem>>) src(%dma_wait3A_480 : memref<1000000x32xf32, #tpu.memory_space<hbm>>) dst(%dma_wait3A_474 : memref<50x32xf32, #tpu.memory_space<vmem>>)
      %dma_wait3A_481 = arith.constant 0 : i32
      %dma_wait3A_482 = arith.constant 12 : i32
      %dma_wait3A_483 = arith.constant 0 : i32
      %dma_wait3A_484 = arith.constant 12 : i32
      %dma_wait3A_485 = arith.constant 0 : i32
      %dma_wait3A_486 = arith.constant 0 : i32
      %dma_wait3A_487 = tpu.memref_slice %arg6[%dma_wait3A_483, %dma_wait3A_484, %dma_wait3A_485, %dma_wait3A_486] : memref<2x16x50x32xf32, #tpu.memory_space<vmem>> -> memref<1x1x50x32xf32, #tpu.memory_space<vmem>>
      %dma_wait3A_488 = tpu.memref_squeeze %dma_wait3A_487 : memref<1x1x50x32xf32, #tpu.memory_space<vmem>> -> memref<50x32xf32, #tpu.memory_space<vmem>>
      %dma_wait3A_489 = arith.constant 0 : i32
      %dma_wait3A_490 = tpu.memref_slice %arg5[%dma_wait3A_481, %dma_wait3A_482, %dma_wait3A_489] : memref<2x16x50xi32, #tpu.memory_space<vmem>> -> memref<1x1x50xi32, #tpu.memory_space<vmem>>
      %dma_wait3A_491 = tpu.memref_squeeze %dma_wait3A_490 : memref<1x1x50xi32, #tpu.memory_space<vmem>> -> memref<50xi32, #tpu.memory_space<vmem>>
      %dma_wait3A_492 = arith.constant 0 : i32
      %dma_wait3A_493 = arith.constant 0 : i32
      %dma_wait3A_494 = tpu.memref_slice %arg3[%dma_wait3A_492, %dma_wait3A_493] : memref<1000000x32xf32, #tpu.memory_space<hbm>> -> memref<1000000x32xf32, #tpu.memory_space<hbm>>
      tpu.wait_indirect_dma semaphore(%arg9 : memref<!tpu.dma_semaphore, #tpu.memory_space<semaphore_mem>>) src(%dma_wait3A_494 : memref<1000000x32xf32, #tpu.memory_space<hbm>>) dst(%dma_wait3A_488 : memref<50x32xf32, #tpu.memory_space<vmem>>)
      %dma_wait3A_495 = arith.constant 0 : i32
      %dma_wait3A_496 = arith.constant 13 : i32
      %dma_wait3A_497 = arith.constant 0 : i32
      %dma_wait3A_498 = arith.constant 13 : i32
      %dma_wait3A_499 = arith.constant 0 : i32
      %dma_wait3A_500 = arith.constant 0 : i32
      %dma_wait3A_501 = tpu.memref_slice %arg6[%dma_wait3A_497, %dma_wait3A_498, %dma_wait3A_499, %dma_wait3A_500] : memref<2x16x50x32xf32, #tpu.memory_space<vmem>> -> memref<1x1x50x32xf32, #tpu.memory_space<vmem>>
      %dma_wait3A_502 = tpu.memref_squeeze %dma_wait3A_501 : memref<1x1x50x32xf32, #tpu.memory_space<vmem>> -> memref<50x32xf32, #tpu.memory_space<vmem>>
      %dma_wait3A_503 = arith.constant 0 : i32
      %dma_wait3A_504 = tpu.memref_slice %arg5[%dma_wait3A_495, %dma_wait3A_496, %dma_wait3A_503] : memref<2x16x50xi32, #tpu.memory_space<vmem>> -> memref<1x1x50xi32, #tpu.memory_space<vmem>>
      %dma_wait3A_505 = tpu.memref_squeeze %dma_wait3A_504 : memref<1x1x50xi32, #tpu.memory_space<vmem>> -> memref<50xi32, #tpu.memory_space<vmem>>
      %dma_wait3A_506 = arith.constant 0 : i32
      %dma_wait3A_507 = arith.constant 0 : i32
      %dma_wait3A_508 = tpu.memref_slice %arg3[%dma_wait3A_506, %dma_wait3A_507] : memref<1000000x32xf32, #tpu.memory_space<hbm>> -> memref<1000000x32xf32, #tpu.memory_space<hbm>>
      tpu.wait_indirect_dma semaphore(%arg9 : memref<!tpu.dma_semaphore, #tpu.memory_space<semaphore_mem>>) src(%dma_wait3A_508 : memref<1000000x32xf32, #tpu.memory_space<hbm>>) dst(%dma_wait3A_502 : memref<50x32xf32, #tpu.memory_space<vmem>>)
      %dma_wait3A_509 = arith.constant 0 : i32
      %dma_wait3A_510 = arith.constant 14 : i32
      %dma_wait3A_511 = arith.constant 0 : i32
      %dma_wait3A_512 = arith.constant 14 : i32
      %dma_wait3A_513 = arith.constant 0 : i32
      %dma_wait3A_514 = arith.constant 0 : i32
      %dma_wait3A_515 = tpu.memref_slice %arg6[%dma_wait3A_511, %dma_wait3A_512, %dma_wait3A_513, %dma_wait3A_514] : memref<2x16x50x32xf32, #tpu.memory_space<vmem>> -> memref<1x1x50x32xf32, #tpu.memory_space<vmem>>
      %dma_wait3A_516 = tpu.memref_squeeze %dma_wait3A_515 : memref<1x1x50x32xf32, #tpu.memory_space<vmem>> -> memref<50x32xf32, #tpu.memory_space<vmem>>
      %dma_wait3A_517 = arith.constant 0 : i32
      %dma_wait3A_518 = tpu.memref_slice %arg5[%dma_wait3A_509, %dma_wait3A_510, %dma_wait3A_517] : memref<2x16x50xi32, #tpu.memory_space<vmem>> -> memref<1x1x50xi32, #tpu.memory_space<vmem>>
      %dma_wait3A_519 = tpu.memref_squeeze %dma_wait3A_518 : memref<1x1x50xi32, #tpu.memory_space<vmem>> -> memref<50xi32, #tpu.memory_space<vmem>>
      %dma_wait3A_520 = arith.constant 0 : i32
      %dma_wait3A_521 = arith.constant 0 : i32
      %dma_wait3A_522 = tpu.memref_slice %arg3[%dma_wait3A_520, %dma_wait3A_521] : memref<1000000x32xf32, #tpu.memory_space<hbm>> -> memref<1000000x32xf32, #tpu.memory_space<hbm>>
      tpu.wait_indirect_dma semaphore(%arg9 : memref<!tpu.dma_semaphore, #tpu.memory_space<semaphore_mem>>) src(%dma_wait3A_522 : memref<1000000x32xf32, #tpu.memory_space<hbm>>) dst(%dma_wait3A_516 : memref<50x32xf32, #tpu.memory_space<vmem>>)
      %dma_wait3A_523 = arith.constant 0 : i32
      %dma_wait3A_524 = arith.constant 15 : i32
      %dma_wait3A_525 = arith.constant 0 : i32
      %dma_wait3A_526 = arith.constant 15 : i32
      %dma_wait3A_527 = arith.constant 0 : i32
      %dma_wait3A_528 = arith.constant 0 : i32
      %dma_wait3A_529 = tpu.memref_slice %arg6[%dma_wait3A_525, %dma_wait3A_526, %dma_wait3A_527, %dma_wait3A_528] : memref<2x16x50x32xf32, #tpu.memory_space<vmem>> -> memref<1x1x50x32xf32, #tpu.memory_space<vmem>>
      %dma_wait3A_530 = tpu.memref_squeeze %dma_wait3A_529 : memref<1x1x50x32xf32, #tpu.memory_space<vmem>> -> memref<50x32xf32, #tpu.memory_space<vmem>>
      %dma_wait3A_531 = arith.constant 0 : i32
      %dma_wait3A_532 = tpu.memref_slice %arg5[%dma_wait3A_523, %dma_wait3A_524, %dma_wait3A_531] : memref<2x16x50xi32, #tpu.memory_space<vmem>> -> memref<1x1x50xi32, #tpu.memory_space<vmem>>
      %dma_wait3A_533 = tpu.memref_squeeze %dma_wait3A_532 : memref<1x1x50xi32, #tpu.memory_space<vmem>> -> memref<50xi32, #tpu.memory_space<vmem>>
      %dma_wait3A_534 = arith.constant 0 : i32
      %dma_wait3A_535 = arith.constant 0 : i32
      %dma_wait3A_536 = tpu.memref_slice %arg3[%dma_wait3A_534, %dma_wait3A_535] : memref<1000000x32xf32, #tpu.memory_space<hbm>> -> memref<1000000x32xf32, #tpu.memory_space<hbm>>
      tpu.wait_indirect_dma semaphore(%arg9 : memref<!tpu.dma_semaphore, #tpu.memory_space<semaphore_mem>>) src(%dma_wait3A_536 : memref<1000000x32xf32, #tpu.memory_space<hbm>>) dst(%dma_wait3A_530 : memref<50x32xf32, #tpu.memory_space<vmem>>)
      %mul3A_537 = arith.constant 16 : i32
      %mul3A_538 = arith.muli %add3A_65, %mul3A_537 : i32
      %dma_start3A_539 = arith.constant 0 : i32
      %dma_start3A_540 = arith.constant 0 : i32
      %dma_start3A_541 = arith.constant 0 : i32
      %dma_start3A_542 = arith.constant 0 : i32
      %dma_start3A_543 = tpu.memref_slice %arg6[%dma_start3A_539, %dma_start3A_540, %dma_start3A_541, %dma_start3A_542] : memref<2x16x50x32xf32, #tpu.memory_space<vmem>> -> memref<1x16x50x32xf32, #tpu.memory_space<vmem>>
      %dma_start3A_544 = tpu.memref_squeeze %dma_start3A_543 : memref<1x16x50x32xf32, #tpu.memory_space<vmem>> -> memref<16x50x32xf32, #tpu.memory_space<vmem>>
      %dma_start3A_545 = arith.constant 0 : i32
      %dma_start3A_546 = arith.constant 0 : i32
      %dma_start3A_547 = tpu.memref_slice %arg4[%mul3A_538, %dma_start3A_545, %dma_start3A_546] : memref<16384x50x32xf32, #tpu.memory_space<hbm>> -> memref<16x50x32xf32, #tpu.memory_space<hbm>>
      %dma_start3A_548 = arith.constant 0 : i32
      %dma_start3A_549 = arith.constant 0 : i32
      %dma_start3A_550 = tpu.memref_slice %arg4[%mul3A_538, %dma_start3A_548, %dma_start3A_549] : memref<16384x50x32xf32, #tpu.memory_space<hbm>> -> memref<16x50x32xf32, #tpu.memory_space<hbm>>
      %dma_start3A_551 = arith.constant 0 : i32
      %dma_start3A_552 = arith.constant 0 : i32
      %dma_start3A_553 = arith.constant 0 : i32
      %dma_start3A_554 = tpu.memref_slice %arg6[%dma_start3A_539, %dma_start3A_551, %dma_start3A_552, %dma_start3A_553] : memref<2x16x50x32xf32, #tpu.memory_space<vmem>> -> memref<1x16x50x32xf32, #tpu.memory_space<vmem>>
      %dma_start3A_555 = tpu.memref_squeeze %dma_start3A_554 : memref<1x16x50x32xf32, #tpu.memory_space<vmem>> -> memref<16x50x32xf32, #tpu.memory_space<vmem>>
      tpu.enqueue_dma source(%dma_start3A_555 : memref<16x50x32xf32, #tpu.memory_space<vmem>>) target(%dma_start3A_550 : memref<16x50x32xf32, #tpu.memory_space<hbm>>) target_semaphore(%arg10 : memref<!tpu.dma_semaphore, #tpu.memory_space<semaphore_mem>>)
      %add3A_556 = arith.constant 1 : i32
      %add3A_557 = arith.addi %add3A_62, %add3A_556 : i32
      %add3A_558 = arith.addi %mul3A_2, %add3A_557 : i32
      %dma_wait3A_559 = arith.constant 1 : i32
      %dma_wait3A_560 = arith.constant 0 : i32
      %dma_wait3A_561 = arith.constant 0 : i32
      %dma_wait3A_562 = tpu.memref_slice %arg5[%dma_wait3A_559, %dma_wait3A_560, %dma_wait3A_561] : memref<2x16x50xi32, #tpu.memory_space<vmem>> -> memref<1x16x50xi32, #tpu.memory_space<vmem>>
      %dma_wait3A_563 = tpu.memref_squeeze %dma_wait3A_562 : memref<1x16x50xi32, #tpu.memory_space<vmem>> -> memref<16x50xi32, #tpu.memory_space<vmem>>
      %dma_wait3A_564 = arith.constant 0 : i32
      %dma_wait3A_565 = arith.constant 0 : i32
      %dma_wait3A_566 = tpu.memref_slice %arg2[%dma_wait3A_564, %dma_wait3A_565] : memref<16384x50xi32, #tpu.memory_space<hbm>> -> memref<16x50xi32, #tpu.memory_space<hbm>>
      %dma_wait3A_567 = arith.constant 0 : i32
      %dma_wait3A_568 = arith.constant 0 : i32
      %dma_wait3A_569 = tpu.memref_slice %arg5[%dma_wait3A_559, %dma_wait3A_567, %dma_wait3A_568] : memref<2x16x50xi32, #tpu.memory_space<vmem>> -> memref<1x16x50xi32, #tpu.memory_space<vmem>>
      %dma_wait3A_570 = tpu.memref_squeeze %dma_wait3A_569 : memref<1x16x50xi32, #tpu.memory_space<vmem>> -> memref<16x50xi32, #tpu.memory_space<vmem>>
      %dma_wait3A_571 = arith.constant 0 : i32
      %dma_wait3A_572 = arith.constant 0 : i32
      %dma_wait3A_573 = tpu.memref_slice %arg2[%dma_wait3A_571, %dma_wait3A_572] : memref<16384x50xi32, #tpu.memory_space<hbm>> -> memref<16x50xi32, #tpu.memory_space<hbm>>
      tpu.wait_dma2 semaphore(%arg8 : memref<!tpu.dma_semaphore, #tpu.memory_space<semaphore_mem>>) src(%dma_wait3A_573 : memref<16x50xi32, #tpu.memory_space<hbm>>) dst(%dma_wait3A_570 : memref<16x50xi32, #tpu.memory_space<vmem>>)
      %ge3A_574 = arith.constant 2 : i32
      %ge3A_575 = arith.cmpi sge, %add3A_557, %ge3A_574 : i32
      %convert_element_type3A_576 = arith.extui %ge3A_575 : i1 to i32
      %cond3A_577 = arith.constant 0 : i32
      %cond3A_578 = arith.cmpi ne, %convert_element_type3A_576, %cond3A_577 : i32
      scf.if %cond3A_578 {
        %dma_wait3A_1053 = arith.constant 1 : i32
        %dma_wait3A_1054 = arith.constant 0 : i32
        %dma_wait3A_1055 = arith.constant 0 : i32
        %dma_wait3A_1056 = arith.constant 0 : i32
        %dma_wait3A_1057 = tpu.memref_slice %arg6[%dma_wait3A_1053, %dma_wait3A_1054, %dma_wait3A_1055, %dma_wait3A_1056] : memref<2x16x50x32xf32, #tpu.memory_space<vmem>> -> memref<1x16x50x32xf32, #tpu.memory_space<vmem>>
        %dma_wait3A_1058 = tpu.memref_squeeze %dma_wait3A_1057 : memref<1x16x50x32xf32, #tpu.memory_space<vmem>> -> memref<16x50x32xf32, #tpu.memory_space<vmem>>
        %dma_wait3A_1059 = arith.constant 0 : i32
        %dma_wait3A_1060 = arith.constant 0 : i32
        %dma_wait3A_1061 = arith.constant 0 : i32
        %dma_wait3A_1062 = tpu.memref_slice %arg4[%dma_wait3A_1059, %dma_wait3A_1060, %dma_wait3A_1061] : memref<16384x50x32xf32, #tpu.memory_space<hbm>> -> memref<16x50x32xf32, #tpu.memory_space<hbm>>
        %dma_wait3A_1063 = arith.constant 0 : i32
        %dma_wait3A_1064 = arith.constant 0 : i32
        %dma_wait3A_1065 = arith.constant 0 : i32
        %dma_wait3A_1066 = tpu.memref_slice %arg4[%dma_wait3A_1063, %dma_wait3A_1064, %dma_wait3A_1065] : memref<16384x50x32xf32, #tpu.memory_space<hbm>> -> memref<16x50x32xf32, #tpu.memory_space<hbm>>
        %dma_wait3A_1067 = arith.constant 0 : i32
        %dma_wait3A_1068 = arith.constant 0 : i32
        %dma_wait3A_1069 = arith.constant 0 : i32
        %dma_wait3A_1070 = tpu.memref_slice %arg6[%dma_wait3A_1053, %dma_wait3A_1067, %dma_wait3A_1068, %dma_wait3A_1069] : memref<2x16x50x32xf32, #tpu.memory_space<vmem>> -> memref<1x16x50x32xf32, #tpu.memory_space<vmem>>
        %dma_wait3A_1071 = tpu.memref_squeeze %dma_wait3A_1070 : memref<1x16x50x32xf32, #tpu.memory_space<vmem>> -> memref<16x50x32xf32, #tpu.memory_space<vmem>>
        tpu.wait_dma2 semaphore(%arg11 : memref<!tpu.dma_semaphore, #tpu.memory_space<semaphore_mem>>) src(%dma_wait3A_1071 : memref<16x50x32xf32, #tpu.memory_space<vmem>>) dst(%dma_wait3A_1066 : memref<16x50x32xf32, #tpu.memory_space<hbm>>)
      } else {
      }
      %dma_start3A_579 = arith.constant 1 : i32
      %dma_start3A_580 = arith.constant 0 : i32
      %dma_start3A_581 = arith.constant 1 : i32
      %dma_start3A_582 = arith.constant 0 : i32
      %dma_start3A_583 = arith.constant 0 : i32
      %dma_start3A_584 = arith.constant 0 : i32
      %dma_start3A_585 = tpu.memref_slice %arg6[%dma_start3A_581, %dma_start3A_582, %dma_start3A_583, %dma_start3A_584] : memref<2x16x50x32xf32, #tpu.memory_space<vmem>> -> memref<1x1x50x32xf32, #tpu.memory_space<vmem>>
      %dma_start3A_586 = tpu.memref_squeeze %dma_start3A_585 : memref<1x1x50x32xf32, #tpu.memory_space<vmem>> -> memref<50x32xf32, #tpu.memory_space<vmem>>
      %dma_start3A_587 = arith.constant 0 : i32
      %dma_start3A_588 = tpu.memref_slice %arg5[%dma_start3A_579, %dma_start3A_580, %dma_start3A_587] : memref<2x16x50xi32, #tpu.memory_space<vmem>> -> memref<1x1x50xi32, #tpu.memory_space<vmem>>
      %dma_start3A_589 = tpu.memref_squeeze %dma_start3A_588 : memref<1x1x50xi32, #tpu.memory_space<vmem>> -> memref<50xi32, #tpu.memory_space<vmem>>
      %dma_start3A_590 = arith.constant 0 : i32
      %dma_start3A_591 = arith.constant 0 : i32
      %dma_start3A_592 = tpu.memref_slice %arg3[%dma_start3A_590, %dma_start3A_591] : memref<1000000x32xf32, #tpu.memory_space<hbm>> -> memref<1000000x32xf32, #tpu.memory_space<hbm>>
      tpu.enqueue_indirect_dma source(%dma_start3A_592 : memref<1000000x32xf32, #tpu.memory_space<hbm>>) target(%dma_start3A_586 : memref<50x32xf32, #tpu.memory_space<vmem>>) offsets(%dma_start3A_589 : memref<50xi32, #tpu.memory_space<vmem>>) semaphore(%arg9 : memref<!tpu.dma_semaphore, #tpu.memory_space<semaphore_mem>>)
      %dma_start3A_593 = arith.constant 1 : i32
      %dma_start3A_594 = arith.constant 1 : i32
      %dma_start3A_595 = arith.constant 1 : i32
      %dma_start3A_596 = arith.constant 1 : i32
      %dma_start3A_597 = arith.constant 0 : i32
      %dma_start3A_598 = arith.constant 0 : i32
      %dma_start3A_599 = tpu.memref_slice %arg6[%dma_start3A_595, %dma_start3A_596, %dma_start3A_597, %dma_start3A_598] : memref<2x16x50x32xf32, #tpu.memory_space<vmem>> -> memref<1x1x50x32xf32, #tpu.memory_space<vmem>>
      %dma_start3A_600 = tpu.memref_squeeze %dma_start3A_599 : memref<1x1x50x32xf32, #tpu.memory_space<vmem>> -> memref<50x32xf32, #tpu.memory_space<vmem>>
      %dma_start3A_601 = arith.constant 0 : i32
      %dma_start3A_602 = tpu.memref_slice %arg5[%dma_start3A_593, %dma_start3A_594, %dma_start3A_601] : memref<2x16x50xi32, #tpu.memory_space<vmem>> -> memref<1x1x50xi32, #tpu.memory_space<vmem>>
      %dma_start3A_603 = tpu.memref_squeeze %dma_start3A_602 : memref<1x1x50xi32, #tpu.memory_space<vmem>> -> memref<50xi32, #tpu.memory_space<vmem>>
      %dma_start3A_604 = arith.constant 0 : i32
      %dma_start3A_605 = arith.constant 0 : i32
      %dma_start3A_606 = tpu.memref_slice %arg3[%dma_start3A_604, %dma_start3A_605] : memref<1000000x32xf32, #tpu.memory_space<hbm>> -> memref<1000000x32xf32, #tpu.memory_space<hbm>>
      tpu.enqueue_indirect_dma source(%dma_start3A_606 : memref<1000000x32xf32, #tpu.memory_space<hbm>>) target(%dma_start3A_600 : memref<50x32xf32, #tpu.memory_space<vmem>>) offsets(%dma_start3A_603 : memref<50xi32, #tpu.memory_space<vmem>>) semaphore(%arg9 : memref<!tpu.dma_semaphore, #tpu.memory_space<semaphore_mem>>)
      %dma_start3A_607 = arith.constant 1 : i32
      %dma_start3A_608 = arith.constant 2 : i32
      %dma_start3A_609 = arith.constant 1 : i32
      %dma_start3A_610 = arith.constant 2 : i32
      %dma_start3A_611 = arith.constant 0 : i32
      %dma_start3A_612 = arith.constant 0 : i32
      %dma_start3A_613 = tpu.memref_slice %arg6[%dma_start3A_609, %dma_start3A_610, %dma_start3A_611, %dma_start3A_612] : memref<2x16x50x32xf32, #tpu.memory_space<vmem>> -> memref<1x1x50x32xf32, #tpu.memory_space<vmem>>
      %dma_start3A_614 = tpu.memref_squeeze %dma_start3A_613 : memref<1x1x50x32xf32, #tpu.memory_space<vmem>> -> memref<50x32xf32, #tpu.memory_space<vmem>>
      %dma_start3A_615 = arith.constant 0 : i32
      %dma_start3A_616 = tpu.memref_slice %arg5[%dma_start3A_607, %dma_start3A_608, %dma_start3A_615] : memref<2x16x50xi32, #tpu.memory_space<vmem>> -> memref<1x1x50xi32, #tpu.memory_space<vmem>>
      %dma_start3A_617 = tpu.memref_squeeze %dma_start3A_616 : memref<1x1x50xi32, #tpu.memory_space<vmem>> -> memref<50xi32, #tpu.memory_space<vmem>>
      %dma_start3A_618 = arith.constant 0 : i32
      %dma_start3A_619 = arith.constant 0 : i32
      %dma_start3A_620 = tpu.memref_slice %arg3[%dma_start3A_618, %dma_start3A_619] : memref<1000000x32xf32, #tpu.memory_space<hbm>> -> memref<1000000x32xf32, #tpu.memory_space<hbm>>
      tpu.enqueue_indirect_dma source(%dma_start3A_620 : memref<1000000x32xf32, #tpu.memory_space<hbm>>) target(%dma_start3A_614 : memref<50x32xf32, #tpu.memory_space<vmem>>) offsets(%dma_start3A_617 : memref<50xi32, #tpu.memory_space<vmem>>) semaphore(%arg9 : memref<!tpu.dma_semaphore, #tpu.memory_space<semaphore_mem>>)
      %dma_start3A_621 = arith.constant 1 : i32
      %dma_start3A_622 = arith.constant 3 : i32
      %dma_start3A_623 = arith.constant 1 : i32
      %dma_start3A_624 = arith.constant 3 : i32
      %dma_start3A_625 = arith.constant 0 : i32
      %dma_start3A_626 = arith.constant 0 : i32
      %dma_start3A_627 = tpu.memref_slice %arg6[%dma_start3A_623, %dma_start3A_624, %dma_start3A_625, %dma_start3A_626] : memref<2x16x50x32xf32, #tpu.memory_space<vmem>> -> memref<1x1x50x32xf32, #tpu.memory_space<vmem>>
      %dma_start3A_628 = tpu.memref_squeeze %dma_start3A_627 : memref<1x1x50x32xf32, #tpu.memory_space<vmem>> -> memref<50x32xf32, #tpu.memory_space<vmem>>
      %dma_start3A_629 = arith.constant 0 : i32
      %dma_start3A_630 = tpu.memref_slice %arg5[%dma_start3A_621, %dma_start3A_622, %dma_start3A_629] : memref<2x16x50xi32, #tpu.memory_space<vmem>> -> memref<1x1x50xi32, #tpu.memory_space<vmem>>
      %dma_start3A_631 = tpu.memref_squeeze %dma_start3A_630 : memref<1x1x50xi32, #tpu.memory_space<vmem>> -> memref<50xi32, #tpu.memory_space<vmem>>
      %dma_start3A_632 = arith.constant 0 : i32
      %dma_start3A_633 = arith.constant 0 : i32
      %dma_start3A_634 = tpu.memref_slice %arg3[%dma_start3A_632, %dma_start3A_633] : memref<1000000x32xf32, #tpu.memory_space<hbm>> -> memref<1000000x32xf32, #tpu.memory_space<hbm>>
      tpu.enqueue_indirect_dma source(%dma_start3A_634 : memref<1000000x32xf32, #tpu.memory_space<hbm>>) target(%dma_start3A_628 : memref<50x32xf32, #tpu.memory_space<vmem>>) offsets(%dma_start3A_631 : memref<50xi32, #tpu.memory_space<vmem>>) semaphore(%arg9 : memref<!tpu.dma_semaphore, #tpu.memory_space<semaphore_mem>>)
      %dma_start3A_635 = arith.constant 1 : i32
      %dma_start3A_636 = arith.constant 4 : i32
      %dma_start3A_637 = arith.constant 1 : i32
      %dma_start3A_638 = arith.constant 4 : i32
      %dma_start3A_639 = arith.constant 0 : i32
      %dma_start3A_640 = arith.constant 0 : i32
      %dma_start3A_641 = tpu.memref_slice %arg6[%dma_start3A_637, %dma_start3A_638, %dma_start3A_639, %dma_start3A_640] : memref<2x16x50x32xf32, #tpu.memory_space<vmem>> -> memref<1x1x50x32xf32, #tpu.memory_space<vmem>>
      %dma_start3A_642 = tpu.memref_squeeze %dma_start3A_641 : memref<1x1x50x32xf32, #tpu.memory_space<vmem>> -> memref<50x32xf32, #tpu.memory_space<vmem>>
      %dma_start3A_643 = arith.constant 0 : i32
      %dma_start3A_644 = tpu.memref_slice %arg5[%dma_start3A_635, %dma_start3A_636, %dma_start3A_643] : memref<2x16x50xi32, #tpu.memory_space<vmem>> -> memref<1x1x50xi32, #tpu.memory_space<vmem>>
      %dma_start3A_645 = tpu.memref_squeeze %dma_start3A_644 : memref<1x1x50xi32, #tpu.memory_space<vmem>> -> memref<50xi32, #tpu.memory_space<vmem>>
      %dma_start3A_646 = arith.constant 0 : i32
      %dma_start3A_647 = arith.constant 0 : i32
      %dma_start3A_648 = tpu.memref_slice %arg3[%dma_start3A_646, %dma_start3A_647] : memref<1000000x32xf32, #tpu.memory_space<hbm>> -> memref<1000000x32xf32, #tpu.memory_space<hbm>>
      tpu.enqueue_indirect_dma source(%dma_start3A_648 : memref<1000000x32xf32, #tpu.memory_space<hbm>>) target(%dma_start3A_642 : memref<50x32xf32, #tpu.memory_space<vmem>>) offsets(%dma_start3A_645 : memref<50xi32, #tpu.memory_space<vmem>>) semaphore(%arg9 : memref<!tpu.dma_semaphore, #tpu.memory_space<semaphore_mem>>)
      %dma_start3A_649 = arith.constant 1 : i32
      %dma_start3A_650 = arith.constant 5 : i32
      %dma_start3A_651 = arith.constant 1 : i32
      %dma_start3A_652 = arith.constant 5 : i32
      %dma_start3A_653 = arith.constant 0 : i32
      %dma_start3A_654 = arith.constant 0 : i32
      %dma_start3A_655 = tpu.memref_slice %arg6[%dma_start3A_651, %dma_start3A_652, %dma_start3A_653, %dma_start3A_654] : memref<2x16x50x32xf32, #tpu.memory_space<vmem>> -> memref<1x1x50x32xf32, #tpu.memory_space<vmem>>
      %dma_start3A_656 = tpu.memref_squeeze %dma_start3A_655 : memref<1x1x50x32xf32, #tpu.memory_space<vmem>> -> memref<50x32xf32, #tpu.memory_space<vmem>>
      %dma_start3A_657 = arith.constant 0 : i32
      %dma_start3A_658 = tpu.memref_slice %arg5[%dma_start3A_649, %dma_start3A_650, %dma_start3A_657] : memref<2x16x50xi32, #tpu.memory_space<vmem>> -> memref<1x1x50xi32, #tpu.memory_space<vmem>>
      %dma_start3A_659 = tpu.memref_squeeze %dma_start3A_658 : memref<1x1x50xi32, #tpu.memory_space<vmem>> -> memref<50xi32, #tpu.memory_space<vmem>>
      %dma_start3A_660 = arith.constant 0 : i32
      %dma_start3A_661 = arith.constant 0 : i32
      %dma_start3A_662 = tpu.memref_slice %arg3[%dma_start3A_660, %dma_start3A_661] : memref<1000000x32xf32, #tpu.memory_space<hbm>> -> memref<1000000x32xf32, #tpu.memory_space<hbm>>
      tpu.enqueue_indirect_dma source(%dma_start3A_662 : memref<1000000x32xf32, #tpu.memory_space<hbm>>) target(%dma_start3A_656 : memref<50x32xf32, #tpu.memory_space<vmem>>) offsets(%dma_start3A_659 : memref<50xi32, #tpu.memory_space<vmem>>) semaphore(%arg9 : memref<!tpu.dma_semaphore, #tpu.memory_space<semaphore_mem>>)
      %dma_start3A_663 = arith.constant 1 : i32
      %dma_start3A_664 = arith.constant 6 : i32
      %dma_start3A_665 = arith.constant 1 : i32
      %dma_start3A_666 = arith.constant 6 : i32
      %dma_start3A_667 = arith.constant 0 : i32
      %dma_start3A_668 = arith.constant 0 : i32
      %dma_start3A_669 = tpu.memref_slice %arg6[%dma_start3A_665, %dma_start3A_666, %dma_start3A_667, %dma_start3A_668] : memref<2x16x50x32xf32, #tpu.memory_space<vmem>> -> memref<1x1x50x32xf32, #tpu.memory_space<vmem>>
      %dma_start3A_670 = tpu.memref_squeeze %dma_start3A_669 : memref<1x1x50x32xf32, #tpu.memory_space<vmem>> -> memref<50x32xf32, #tpu.memory_space<vmem>>
      %dma_start3A_671 = arith.constant 0 : i32
      %dma_start3A_672 = tpu.memref_slice %arg5[%dma_start3A_663, %dma_start3A_664, %dma_start3A_671] : memref<2x16x50xi32, #tpu.memory_space<vmem>> -> memref<1x1x50xi32, #tpu.memory_space<vmem>>
      %dma_start3A_673 = tpu.memref_squeeze %dma_start3A_672 : memref<1x1x50xi32, #tpu.memory_space<vmem>> -> memref<50xi32, #tpu.memory_space<vmem>>
      %dma_start3A_674 = arith.constant 0 : i32
      %dma_start3A_675 = arith.constant 0 : i32
      %dma_start3A_676 = tpu.memref_slice %arg3[%dma_start3A_674, %dma_start3A_675] : memref<1000000x32xf32, #tpu.memory_space<hbm>> -> memref<1000000x32xf32, #tpu.memory_space<hbm>>
      tpu.enqueue_indirect_dma source(%dma_start3A_676 : memref<1000000x32xf32, #tpu.memory_space<hbm>>) target(%dma_start3A_670 : memref<50x32xf32, #tpu.memory_space<vmem>>) offsets(%dma_start3A_673 : memref<50xi32, #tpu.memory_space<vmem>>) semaphore(%arg9 : memref<!tpu.dma_semaphore, #tpu.memory_space<semaphore_mem>>)
      %dma_start3A_677 = arith.constant 1 : i32
      %dma_start3A_678 = arith.constant 7 : i32
      %dma_start3A_679 = arith.constant 1 : i32
      %dma_start3A_680 = arith.constant 7 : i32
      %dma_start3A_681 = arith.constant 0 : i32
      %dma_start3A_682 = arith.constant 0 : i32
      %dma_start3A_683 = tpu.memref_slice %arg6[%dma_start3A_679, %dma_start3A_680, %dma_start3A_681, %dma_start3A_682] : memref<2x16x50x32xf32, #tpu.memory_space<vmem>> -> memref<1x1x50x32xf32, #tpu.memory_space<vmem>>
      %dma_start3A_684 = tpu.memref_squeeze %dma_start3A_683 : memref<1x1x50x32xf32, #tpu.memory_space<vmem>> -> memref<50x32xf32, #tpu.memory_space<vmem>>
      %dma_start3A_685 = arith.constant 0 : i32
      %dma_start3A_686 = tpu.memref_slice %arg5[%dma_start3A_677, %dma_start3A_678, %dma_start3A_685] : memref<2x16x50xi32, #tpu.memory_space<vmem>> -> memref<1x1x50xi32, #tpu.memory_space<vmem>>
      %dma_start3A_687 = tpu.memref_squeeze %dma_start3A_686 : memref<1x1x50xi32, #tpu.memory_space<vmem>> -> memref<50xi32, #tpu.memory_space<vmem>>
      %dma_start3A_688 = arith.constant 0 : i32
      %dma_start3A_689 = arith.constant 0 : i32
      %dma_start3A_690 = tpu.memref_slice %arg3[%dma_start3A_688, %dma_start3A_689] : memref<1000000x32xf32, #tpu.memory_space<hbm>> -> memref<1000000x32xf32, #tpu.memory_space<hbm>>
      tpu.enqueue_indirect_dma source(%dma_start3A_690 : memref<1000000x32xf32, #tpu.memory_space<hbm>>) target(%dma_start3A_684 : memref<50x32xf32, #tpu.memory_space<vmem>>) offsets(%dma_start3A_687 : memref<50xi32, #tpu.memory_space<vmem>>) semaphore(%arg9 : memref<!tpu.dma_semaphore, #tpu.memory_space<semaphore_mem>>)
      %dma_start3A_691 = arith.constant 1 : i32
      %dma_start3A_692 = arith.constant 8 : i32
      %dma_start3A_693 = arith.constant 1 : i32
      %dma_start3A_694 = arith.constant 8 : i32
      %dma_start3A_695 = arith.constant 0 : i32
      %dma_start3A_696 = arith.constant 0 : i32
      %dma_start3A_697 = tpu.memref_slice %arg6[%dma_start3A_693, %dma_start3A_694, %dma_start3A_695, %dma_start3A_696] : memref<2x16x50x32xf32, #tpu.memory_space<vmem>> -> memref<1x1x50x32xf32, #tpu.memory_space<vmem>>
      %dma_start3A_698 = tpu.memref_squeeze %dma_start3A_697 : memref<1x1x50x32xf32, #tpu.memory_space<vmem>> -> memref<50x32xf32, #tpu.memory_space<vmem>>
      %dma_start3A_699 = arith.constant 0 : i32
      %dma_start3A_700 = tpu.memref_slice %arg5[%dma_start3A_691, %dma_start3A_692, %dma_start3A_699] : memref<2x16x50xi32, #tpu.memory_space<vmem>> -> memref<1x1x50xi32, #tpu.memory_space<vmem>>
      %dma_start3A_701 = tpu.memref_squeeze %dma_start3A_700 : memref<1x1x50xi32, #tpu.memory_space<vmem>> -> memref<50xi32, #tpu.memory_space<vmem>>
      %dma_start3A_702 = arith.constant 0 : i32
      %dma_start3A_703 = arith.constant 0 : i32
      %dma_start3A_704 = tpu.memref_slice %arg3[%dma_start3A_702, %dma_start3A_703] : memref<1000000x32xf32, #tpu.memory_space<hbm>> -> memref<1000000x32xf32, #tpu.memory_space<hbm>>
      tpu.enqueue_indirect_dma source(%dma_start3A_704 : memref<1000000x32xf32, #tpu.memory_space<hbm>>) target(%dma_start3A_698 : memref<50x32xf32, #tpu.memory_space<vmem>>) offsets(%dma_start3A_701 : memref<50xi32, #tpu.memory_space<vmem>>) semaphore(%arg9 : memref<!tpu.dma_semaphore, #tpu.memory_space<semaphore_mem>>)
      %dma_start3A_705 = arith.constant 1 : i32
      %dma_start3A_706 = arith.constant 9 : i32
      %dma_start3A_707 = arith.constant 1 : i32
      %dma_start3A_708 = arith.constant 9 : i32
      %dma_start3A_709 = arith.constant 0 : i32
      %dma_start3A_710 = arith.constant 0 : i32
      %dma_start3A_711 = tpu.memref_slice %arg6[%dma_start3A_707, %dma_start3A_708, %dma_start3A_709, %dma_start3A_710] : memref<2x16x50x32xf32, #tpu.memory_space<vmem>> -> memref<1x1x50x32xf32, #tpu.memory_space<vmem>>
      %dma_start3A_712 = tpu.memref_squeeze %dma_start3A_711 : memref<1x1x50x32xf32, #tpu.memory_space<vmem>> -> memref<50x32xf32, #tpu.memory_space<vmem>>
      %dma_start3A_713 = arith.constant 0 : i32
      %dma_start3A_714 = tpu.memref_slice %arg5[%dma_start3A_705, %dma_start3A_706, %dma_start3A_713] : memref<2x16x50xi32, #tpu.memory_space<vmem>> -> memref<1x1x50xi32, #tpu.memory_space<vmem>>
      %dma_start3A_715 = tpu.memref_squeeze %dma_start3A_714 : memref<1x1x50xi32, #tpu.memory_space<vmem>> -> memref<50xi32, #tpu.memory_space<vmem>>
      %dma_start3A_716 = arith.constant 0 : i32
      %dma_start3A_717 = arith.constant 0 : i32
      %dma_start3A_718 = tpu.memref_slice %arg3[%dma_start3A_716, %dma_start3A_717] : memref<1000000x32xf32, #tpu.memory_space<hbm>> -> memref<1000000x32xf32, #tpu.memory_space<hbm>>
      tpu.enqueue_indirect_dma source(%dma_start3A_718 : memref<1000000x32xf32, #tpu.memory_space<hbm>>) target(%dma_start3A_712 : memref<50x32xf32, #tpu.memory_space<vmem>>) offsets(%dma_start3A_715 : memref<50xi32, #tpu.memory_space<vmem>>) semaphore(%arg9 : memref<!tpu.dma_semaphore, #tpu.memory_space<semaphore_mem>>)
      %dma_start3A_719 = arith.constant 1 : i32
      %dma_start3A_720 = arith.constant 10 : i32
      %dma_start3A_721 = arith.constant 1 : i32
      %dma_start3A_722 = arith.constant 10 : i32
      %dma_start3A_723 = arith.constant 0 : i32
      %dma_start3A_724 = arith.constant 0 : i32
      %dma_start3A_725 = tpu.memref_slice %arg6[%dma_start3A_721, %dma_start3A_722, %dma_start3A_723, %dma_start3A_724] : memref<2x16x50x32xf32, #tpu.memory_space<vmem>> -> memref<1x1x50x32xf32, #tpu.memory_space<vmem>>
      %dma_start3A_726 = tpu.memref_squeeze %dma_start3A_725 : memref<1x1x50x32xf32, #tpu.memory_space<vmem>> -> memref<50x32xf32, #tpu.memory_space<vmem>>
      %dma_start3A_727 = arith.constant 0 : i32
      %dma_start3A_728 = tpu.memref_slice %arg5[%dma_start3A_719, %dma_start3A_720, %dma_start3A_727] : memref<2x16x50xi32, #tpu.memory_space<vmem>> -> memref<1x1x50xi32, #tpu.memory_space<vmem>>
      %dma_start3A_729 = tpu.memref_squeeze %dma_start3A_728 : memref<1x1x50xi32, #tpu.memory_space<vmem>> -> memref<50xi32, #tpu.memory_space<vmem>>
      %dma_start3A_730 = arith.constant 0 : i32
      %dma_start3A_731 = arith.constant 0 : i32
      %dma_start3A_732 = tpu.memref_slice %arg3[%dma_start3A_730, %dma_start3A_731] : memref<1000000x32xf32, #tpu.memory_space<hbm>> -> memref<1000000x32xf32, #tpu.memory_space<hbm>>
      tpu.enqueue_indirect_dma source(%dma_start3A_732 : memref<1000000x32xf32, #tpu.memory_space<hbm>>) target(%dma_start3A_726 : memref<50x32xf32, #tpu.memory_space<vmem>>) offsets(%dma_start3A_729 : memref<50xi32, #tpu.memory_space<vmem>>) semaphore(%arg9 : memref<!tpu.dma_semaphore, #tpu.memory_space<semaphore_mem>>)
      %dma_start3A_733 = arith.constant 1 : i32
      %dma_start3A_734 = arith.constant 11 : i32
      %dma_start3A_735 = arith.constant 1 : i32
      %dma_start3A_736 = arith.constant 11 : i32
      %dma_start3A_737 = arith.constant 0 : i32
      %dma_start3A_738 = arith.constant 0 : i32
      %dma_start3A_739 = tpu.memref_slice %arg6[%dma_start3A_735, %dma_start3A_736, %dma_start3A_737, %dma_start3A_738] : memref<2x16x50x32xf32, #tpu.memory_space<vmem>> -> memref<1x1x50x32xf32, #tpu.memory_space<vmem>>
      %dma_start3A_740 = tpu.memref_squeeze %dma_start3A_739 : memref<1x1x50x32xf32, #tpu.memory_space<vmem>> -> memref<50x32xf32, #tpu.memory_space<vmem>>
      %dma_start3A_741 = arith.constant 0 : i32
      %dma_start3A_742 = tpu.memref_slice %arg5[%dma_start3A_733, %dma_start3A_734, %dma_start3A_741] : memref<2x16x50xi32, #tpu.memory_space<vmem>> -> memref<1x1x50xi32, #tpu.memory_space<vmem>>
      %dma_start3A_743 = tpu.memref_squeeze %dma_start3A_742 : memref<1x1x50xi32, #tpu.memory_space<vmem>> -> memref<50xi32, #tpu.memory_space<vmem>>
      %dma_start3A_744 = arith.constant 0 : i32
      %dma_start3A_745 = arith.constant 0 : i32
      %dma_start3A_746 = tpu.memref_slice %arg3[%dma_start3A_744, %dma_start3A_745] : memref<1000000x32xf32, #tpu.memory_space<hbm>> -> memref<1000000x32xf32, #tpu.memory_space<hbm>>
      tpu.enqueue_indirect_dma source(%dma_start3A_746 : memref<1000000x32xf32, #tpu.memory_space<hbm>>) target(%dma_start3A_740 : memref<50x32xf32, #tpu.memory_space<vmem>>) offsets(%dma_start3A_743 : memref<50xi32, #tpu.memory_space<vmem>>) semaphore(%arg9 : memref<!tpu.dma_semaphore, #tpu.memory_space<semaphore_mem>>)
      %dma_start3A_747 = arith.constant 1 : i32
      %dma_start3A_748 = arith.constant 12 : i32
      %dma_start3A_749 = arith.constant 1 : i32
      %dma_start3A_750 = arith.constant 12 : i32
      %dma_start3A_751 = arith.constant 0 : i32
      %dma_start3A_752 = arith.constant 0 : i32
      %dma_start3A_753 = tpu.memref_slice %arg6[%dma_start3A_749, %dma_start3A_750, %dma_start3A_751, %dma_start3A_752] : memref<2x16x50x32xf32, #tpu.memory_space<vmem>> -> memref<1x1x50x32xf32, #tpu.memory_space<vmem>>
      %dma_start3A_754 = tpu.memref_squeeze %dma_start3A_753 : memref<1x1x50x32xf32, #tpu.memory_space<vmem>> -> memref<50x32xf32, #tpu.memory_space<vmem>>
      %dma_start3A_755 = arith.constant 0 : i32
      %dma_start3A_756 = tpu.memref_slice %arg5[%dma_start3A_747, %dma_start3A_748, %dma_start3A_755] : memref<2x16x50xi32, #tpu.memory_space<vmem>> -> memref<1x1x50xi32, #tpu.memory_space<vmem>>
      %dma_start3A_757 = tpu.memref_squeeze %dma_start3A_756 : memref<1x1x50xi32, #tpu.memory_space<vmem>> -> memref<50xi32, #tpu.memory_space<vmem>>
      %dma_start3A_758 = arith.constant 0 : i32
      %dma_start3A_759 = arith.constant 0 : i32
      %dma_start3A_760 = tpu.memref_slice %arg3[%dma_start3A_758, %dma_start3A_759] : memref<1000000x32xf32, #tpu.memory_space<hbm>> -> memref<1000000x32xf32, #tpu.memory_space<hbm>>
      tpu.enqueue_indirect_dma source(%dma_start3A_760 : memref<1000000x32xf32, #tpu.memory_space<hbm>>) target(%dma_start3A_754 : memref<50x32xf32, #tpu.memory_space<vmem>>) offsets(%dma_start3A_757 : memref<50xi32, #tpu.memory_space<vmem>>) semaphore(%arg9 : memref<!tpu.dma_semaphore, #tpu.memory_space<semaphore_mem>>)
      %dma_start3A_761 = arith.constant 1 : i32
      %dma_start3A_762 = arith.constant 13 : i32
      %dma_start3A_763 = arith.constant 1 : i32
      %dma_start3A_764 = arith.constant 13 : i32
      %dma_start3A_765 = arith.constant 0 : i32
      %dma_start3A_766 = arith.constant 0 : i32
      %dma_start3A_767 = tpu.memref_slice %arg6[%dma_start3A_763, %dma_start3A_764, %dma_start3A_765, %dma_start3A_766] : memref<2x16x50x32xf32, #tpu.memory_space<vmem>> -> memref<1x1x50x32xf32, #tpu.memory_space<vmem>>
      %dma_start3A_768 = tpu.memref_squeeze %dma_start3A_767 : memref<1x1x50x32xf32, #tpu.memory_space<vmem>> -> memref<50x32xf32, #tpu.memory_space<vmem>>
      %dma_start3A_769 = arith.constant 0 : i32
      %dma_start3A_770 = tpu.memref_slice %arg5[%dma_start3A_761, %dma_start3A_762, %dma_start3A_769] : memref<2x16x50xi32, #tpu.memory_space<vmem>> -> memref<1x1x50xi32, #tpu.memory_space<vmem>>
      %dma_start3A_771 = tpu.memref_squeeze %dma_start3A_770 : memref<1x1x50xi32, #tpu.memory_space<vmem>> -> memref<50xi32, #tpu.memory_space<vmem>>
      %dma_start3A_772 = arith.constant 0 : i32
      %dma_start3A_773 = arith.constant 0 : i32
      %dma_start3A_774 = tpu.memref_slice %arg3[%dma_start3A_772, %dma_start3A_773] : memref<1000000x32xf32, #tpu.memory_space<hbm>> -> memref<1000000x32xf32, #tpu.memory_space<hbm>>
      tpu.enqueue_indirect_dma source(%dma_start3A_774 : memref<1000000x32xf32, #tpu.memory_space<hbm>>) target(%dma_start3A_768 : memref<50x32xf32, #tpu.memory_space<vmem>>) offsets(%dma_start3A_771 : memref<50xi32, #tpu.memory_space<vmem>>) semaphore(%arg9 : memref<!tpu.dma_semaphore, #tpu.memory_space<semaphore_mem>>)
      %dma_start3A_775 = arith.constant 1 : i32
      %dma_start3A_776 = arith.constant 14 : i32
      %dma_start3A_777 = arith.constant 1 : i32
      %dma_start3A_778 = arith.constant 14 : i32
      %dma_start3A_779 = arith.constant 0 : i32
      %dma_start3A_780 = arith.constant 0 : i32
      %dma_start3A_781 = tpu.memref_slice %arg6[%dma_start3A_777, %dma_start3A_778, %dma_start3A_779, %dma_start3A_780] : memref<2x16x50x32xf32, #tpu.memory_space<vmem>> -> memref<1x1x50x32xf32, #tpu.memory_space<vmem>>
      %dma_start3A_782 = tpu.memref_squeeze %dma_start3A_781 : memref<1x1x50x32xf32, #tpu.memory_space<vmem>> -> memref<50x32xf32, #tpu.memory_space<vmem>>
      %dma_start3A_783 = arith.constant 0 : i32
      %dma_start3A_784 = tpu.memref_slice %arg5[%dma_start3A_775, %dma_start3A_776, %dma_start3A_783] : memref<2x16x50xi32, #tpu.memory_space<vmem>> -> memref<1x1x50xi32, #tpu.memory_space<vmem>>
      %dma_start3A_785 = tpu.memref_squeeze %dma_start3A_784 : memref<1x1x50xi32, #tpu.memory_space<vmem>> -> memref<50xi32, #tpu.memory_space<vmem>>
      %dma_start3A_786 = arith.constant 0 : i32
      %dma_start3A_787 = arith.constant 0 : i32
      %dma_start3A_788 = tpu.memref_slice %arg3[%dma_start3A_786, %dma_start3A_787] : memref<1000000x32xf32, #tpu.memory_space<hbm>> -> memref<1000000x32xf32, #tpu.memory_space<hbm>>
      tpu.enqueue_indirect_dma source(%dma_start3A_788 : memref<1000000x32xf32, #tpu.memory_space<hbm>>) target(%dma_start3A_782 : memref<50x32xf32, #tpu.memory_space<vmem>>) offsets(%dma_start3A_785 : memref<50xi32, #tpu.memory_space<vmem>>) semaphore(%arg9 : memref<!tpu.dma_semaphore, #tpu.memory_space<semaphore_mem>>)
      %dma_start3A_789 = arith.constant 1 : i32
      %dma_start3A_790 = arith.constant 15 : i32
      %dma_start3A_791 = arith.constant 1 : i32
      %dma_start3A_792 = arith.constant 15 : i32
      %dma_start3A_793 = arith.constant 0 : i32
      %dma_start3A_794 = arith.constant 0 : i32
      %dma_start3A_795 = tpu.memref_slice %arg6[%dma_start3A_791, %dma_start3A_792, %dma_start3A_793, %dma_start3A_794] : memref<2x16x50x32xf32, #tpu.memory_space<vmem>> -> memref<1x1x50x32xf32, #tpu.memory_space<vmem>>
      %dma_start3A_796 = tpu.memref_squeeze %dma_start3A_795 : memref<1x1x50x32xf32, #tpu.memory_space<vmem>> -> memref<50x32xf32, #tpu.memory_space<vmem>>
      %dma_start3A_797 = arith.constant 0 : i32
      %dma_start3A_798 = tpu.memref_slice %arg5[%dma_start3A_789, %dma_start3A_790, %dma_start3A_797] : memref<2x16x50xi32, #tpu.memory_space<vmem>> -> memref<1x1x50xi32, #tpu.memory_space<vmem>>
      %dma_start3A_799 = tpu.memref_squeeze %dma_start3A_798 : memref<1x1x50xi32, #tpu.memory_space<vmem>> -> memref<50xi32, #tpu.memory_space<vmem>>
      %dma_start3A_800 = arith.constant 0 : i32
      %dma_start3A_801 = arith.constant 0 : i32
      %dma_start3A_802 = tpu.memref_slice %arg3[%dma_start3A_800, %dma_start3A_801] : memref<1000000x32xf32, #tpu.memory_space<hbm>> -> memref<1000000x32xf32, #tpu.memory_space<hbm>>
      tpu.enqueue_indirect_dma source(%dma_start3A_802 : memref<1000000x32xf32, #tpu.memory_space<hbm>>) target(%dma_start3A_796 : memref<50x32xf32, #tpu.memory_space<vmem>>) offsets(%dma_start3A_799 : memref<50xi32, #tpu.memory_space<vmem>>) semaphore(%arg9 : memref<!tpu.dma_semaphore, #tpu.memory_space<semaphore_mem>>)
      %add3A_803 = arith.constant 1 : i32
      %add3A_804 = arith.addi %add3A_557, %add3A_803 : i32
      %lt3A_805 = arith.constant 32 : i32
      %lt3A_806 = arith.cmpi slt, %add3A_804, %lt3A_805 : i32
      %convert_element_type3A_807 = arith.extui %lt3A_806 : i1 to i32
      %cond3A_808 = arith.constant 0 : i32
      %cond3A_809 = arith.cmpi ne, %convert_element_type3A_807, %cond3A_808 : i32
      scf.if %cond3A_809 {
        %add3A_1053 = arith.constant 1 : i32
        %add3A_1054 = arith.addi %add3A_558, %add3A_1053 : i32
        %mul3A_1055 = arith.constant 16 : i32
        %mul3A_1056 = arith.muli %add3A_1054, %mul3A_1055 : i32
        %dma_start3A_1057 = arith.constant 0 : i32
        %dma_start3A_1058 = arith.constant 0 : i32
        %dma_start3A_1059 = arith.constant 0 : i32
        %dma_start3A_1060 = tpu.memref_slice %arg5[%dma_start3A_1057, %dma_start3A_1058, %dma_start3A_1059] : memref<2x16x50xi32, #tpu.memory_space<vmem>> -> memref<1x16x50xi32, #tpu.memory_space<vmem>>
        %dma_start3A_1061 = tpu.memref_squeeze %dma_start3A_1060 : memref<1x16x50xi32, #tpu.memory_space<vmem>> -> memref<16x50xi32, #tpu.memory_space<vmem>>
        %dma_start3A_1062 = arith.constant 0 : i32
        %dma_start3A_1063 = tpu.memref_slice %arg2[%mul3A_1056, %dma_start3A_1062] : memref<16384x50xi32, #tpu.memory_space<hbm>> -> memref<16x50xi32, #tpu.memory_space<hbm>>
        %dma_start3A_1064 = arith.constant 0 : i32
        %dma_start3A_1065 = arith.constant 0 : i32
        %dma_start3A_1066 = tpu.memref_slice %arg5[%dma_start3A_1057, %dma_start3A_1064, %dma_start3A_1065] : memref<2x16x50xi32, #tpu.memory_space<vmem>> -> memref<1x16x50xi32, #tpu.memory_space<vmem>>
        %dma_start3A_1067 = tpu.memref_squeeze %dma_start3A_1066 : memref<1x16x50xi32, #tpu.memory_space<vmem>> -> memref<16x50xi32, #tpu.memory_space<vmem>>
        %dma_start3A_1068 = arith.constant 0 : i32
        %dma_start3A_1069 = tpu.memref_slice %arg2[%mul3A_1056, %dma_start3A_1068] : memref<16384x50xi32, #tpu.memory_space<hbm>> -> memref<16x50xi32, #tpu.memory_space<hbm>>
        tpu.enqueue_dma source(%dma_start3A_1069 : memref<16x50xi32, #tpu.memory_space<hbm>>) target(%dma_start3A_1067 : memref<16x50xi32, #tpu.memory_space<vmem>>) target_semaphore(%arg7 : memref<!tpu.dma_semaphore, #tpu.memory_space<semaphore_mem>>)
      } else {
      }
      %dma_wait3A_810 = arith.constant 1 : i32
      %dma_wait3A_811 = arith.constant 0 : i32
      %dma_wait3A_812 = arith.constant 1 : i32
      %dma_wait3A_813 = arith.constant 0 : i32
      %dma_wait3A_814 = arith.constant 0 : i32
      %dma_wait3A_815 = arith.constant 0 : i32
      %dma_wait3A_816 = tpu.memref_slice %arg6[%dma_wait3A_812, %dma_wait3A_813, %dma_wait3A_814, %dma_wait3A_815] : memref<2x16x50x32xf32, #tpu.memory_space<vmem>> -> memref<1x1x50x32xf32, #tpu.memory_space<vmem>>
      %dma_wait3A_817 = tpu.memref_squeeze %dma_wait3A_816 : memref<1x1x50x32xf32, #tpu.memory_space<vmem>> -> memref<50x32xf32, #tpu.memory_space<vmem>>
      %dma_wait3A_818 = arith.constant 0 : i32
      %dma_wait3A_819 = tpu.memref_slice %arg5[%dma_wait3A_810, %dma_wait3A_811, %dma_wait3A_818] : memref<2x16x50xi32, #tpu.memory_space<vmem>> -> memref<1x1x50xi32, #tpu.memory_space<vmem>>
      %dma_wait3A_820 = tpu.memref_squeeze %dma_wait3A_819 : memref<1x1x50xi32, #tpu.memory_space<vmem>> -> memref<50xi32, #tpu.memory_space<vmem>>
      %dma_wait3A_821 = arith.constant 0 : i32
      %dma_wait3A_822 = arith.constant 0 : i32
      %dma_wait3A_823 = tpu.memref_slice %arg3[%dma_wait3A_821, %dma_wait3A_822] : memref<1000000x32xf32, #tpu.memory_space<hbm>> -> memref<1000000x32xf32, #tpu.memory_space<hbm>>
      tpu.wait_indirect_dma semaphore(%arg9 : memref<!tpu.dma_semaphore, #tpu.memory_space<semaphore_mem>>) src(%dma_wait3A_823 : memref<1000000x32xf32, #tpu.memory_space<hbm>>) dst(%dma_wait3A_817 : memref<50x32xf32, #tpu.memory_space<vmem>>)
      %dma_wait3A_824 = arith.constant 1 : i32
      %dma_wait3A_825 = arith.constant 1 : i32
      %dma_wait3A_826 = arith.constant 1 : i32
      %dma_wait3A_827 = arith.constant 1 : i32
      %dma_wait3A_828 = arith.constant 0 : i32
      %dma_wait3A_829 = arith.constant 0 : i32
      %dma_wait3A_830 = tpu.memref_slice %arg6[%dma_wait3A_826, %dma_wait3A_827, %dma_wait3A_828, %dma_wait3A_829] : memref<2x16x50x32xf32, #tpu.memory_space<vmem>> -> memref<1x1x50x32xf32, #tpu.memory_space<vmem>>
      %dma_wait3A_831 = tpu.memref_squeeze %dma_wait3A_830 : memref<1x1x50x32xf32, #tpu.memory_space<vmem>> -> memref<50x32xf32, #tpu.memory_space<vmem>>
      %dma_wait3A_832 = arith.constant 0 : i32
      %dma_wait3A_833 = tpu.memref_slice %arg5[%dma_wait3A_824, %dma_wait3A_825, %dma_wait3A_832] : memref<2x16x50xi32, #tpu.memory_space<vmem>> -> memref<1x1x50xi32, #tpu.memory_space<vmem>>
      %dma_wait3A_834 = tpu.memref_squeeze %dma_wait3A_833 : memref<1x1x50xi32, #tpu.memory_space<vmem>> -> memref<50xi32, #tpu.memory_space<vmem>>
      %dma_wait3A_835 = arith.constant 0 : i32
      %dma_wait3A_836 = arith.constant 0 : i32
      %dma_wait3A_837 = tpu.memref_slice %arg3[%dma_wait3A_835, %dma_wait3A_836] : memref<1000000x32xf32, #tpu.memory_space<hbm>> -> memref<1000000x32xf32, #tpu.memory_space<hbm>>
      tpu.wait_indirect_dma semaphore(%arg9 : memref<!tpu.dma_semaphore, #tpu.memory_space<semaphore_mem>>) src(%dma_wait3A_837 : memref<1000000x32xf32, #tpu.memory_space<hbm>>) dst(%dma_wait3A_831 : memref<50x32xf32, #tpu.memory_space<vmem>>)
      %dma_wait3A_838 = arith.constant 1 : i32
      %dma_wait3A_839 = arith.constant 2 : i32
      %dma_wait3A_840 = arith.constant 1 : i32
      %dma_wait3A_841 = arith.constant 2 : i32
      %dma_wait3A_842 = arith.constant 0 : i32
      %dma_wait3A_843 = arith.constant 0 : i32
      %dma_wait3A_844 = tpu.memref_slice %arg6[%dma_wait3A_840, %dma_wait3A_841, %dma_wait3A_842, %dma_wait3A_843] : memref<2x16x50x32xf32, #tpu.memory_space<vmem>> -> memref<1x1x50x32xf32, #tpu.memory_space<vmem>>
      %dma_wait3A_845 = tpu.memref_squeeze %dma_wait3A_844 : memref<1x1x50x32xf32, #tpu.memory_space<vmem>> -> memref<50x32xf32, #tpu.memory_space<vmem>>
      %dma_wait3A_846 = arith.constant 0 : i32
      %dma_wait3A_847 = tpu.memref_slice %arg5[%dma_wait3A_838, %dma_wait3A_839, %dma_wait3A_846] : memref<2x16x50xi32, #tpu.memory_space<vmem>> -> memref<1x1x50xi32, #tpu.memory_space<vmem>>
      %dma_wait3A_848 = tpu.memref_squeeze %dma_wait3A_847 : memref<1x1x50xi32, #tpu.memory_space<vmem>> -> memref<50xi32, #tpu.memory_space<vmem>>
      %dma_wait3A_849 = arith.constant 0 : i32
      %dma_wait3A_850 = arith.constant 0 : i32
      %dma_wait3A_851 = tpu.memref_slice %arg3[%dma_wait3A_849, %dma_wait3A_850] : memref<1000000x32xf32, #tpu.memory_space<hbm>> -> memref<1000000x32xf32, #tpu.memory_space<hbm>>
      tpu.wait_indirect_dma semaphore(%arg9 : memref<!tpu.dma_semaphore, #tpu.memory_space<semaphore_mem>>) src(%dma_wait3A_851 : memref<1000000x32xf32, #tpu.memory_space<hbm>>) dst(%dma_wait3A_845 : memref<50x32xf32, #tpu.memory_space<vmem>>)
      %dma_wait3A_852 = arith.constant 1 : i32
      %dma_wait3A_853 = arith.constant 3 : i32
      %dma_wait3A_854 = arith.constant 1 : i32
      %dma_wait3A_855 = arith.constant 3 : i32
      %dma_wait3A_856 = arith.constant 0 : i32
      %dma_wait3A_857 = arith.constant 0 : i32
      %dma_wait3A_858 = tpu.memref_slice %arg6[%dma_wait3A_854, %dma_wait3A_855, %dma_wait3A_856, %dma_wait3A_857] : memref<2x16x50x32xf32, #tpu.memory_space<vmem>> -> memref<1x1x50x32xf32, #tpu.memory_space<vmem>>
      %dma_wait3A_859 = tpu.memref_squeeze %dma_wait3A_858 : memref<1x1x50x32xf32, #tpu.memory_space<vmem>> -> memref<50x32xf32, #tpu.memory_space<vmem>>
      %dma_wait3A_860 = arith.constant 0 : i32
      %dma_wait3A_861 = tpu.memref_slice %arg5[%dma_wait3A_852, %dma_wait3A_853, %dma_wait3A_860] : memref<2x16x50xi32, #tpu.memory_space<vmem>> -> memref<1x1x50xi32, #tpu.memory_space<vmem>>
      %dma_wait3A_862 = tpu.memref_squeeze %dma_wait3A_861 : memref<1x1x50xi32, #tpu.memory_space<vmem>> -> memref<50xi32, #tpu.memory_space<vmem>>
      %dma_wait3A_863 = arith.constant 0 : i32
      %dma_wait3A_864 = arith.constant 0 : i32
      %dma_wait3A_865 = tpu.memref_slice %arg3[%dma_wait3A_863, %dma_wait3A_864] : memref<1000000x32xf32, #tpu.memory_space<hbm>> -> memref<1000000x32xf32, #tpu.memory_space<hbm>>
      tpu.wait_indirect_dma semaphore(%arg9 : memref<!tpu.dma_semaphore, #tpu.memory_space<semaphore_mem>>) src(%dma_wait3A_865 : memref<1000000x32xf32, #tpu.memory_space<hbm>>) dst(%dma_wait3A_859 : memref<50x32xf32, #tpu.memory_space<vmem>>)
      %dma_wait3A_866 = arith.constant 1 : i32
      %dma_wait3A_867 = arith.constant 4 : i32
      %dma_wait3A_868 = arith.constant 1 : i32
      %dma_wait3A_869 = arith.constant 4 : i32
      %dma_wait3A_870 = arith.constant 0 : i32
      %dma_wait3A_871 = arith.constant 0 : i32
      %dma_wait3A_872 = tpu.memref_slice %arg6[%dma_wait3A_868, %dma_wait3A_869, %dma_wait3A_870, %dma_wait3A_871] : memref<2x16x50x32xf32, #tpu.memory_space<vmem>> -> memref<1x1x50x32xf32, #tpu.memory_space<vmem>>
      %dma_wait3A_873 = tpu.memref_squeeze %dma_wait3A_872 : memref<1x1x50x32xf32, #tpu.memory_space<vmem>> -> memref<50x32xf32, #tpu.memory_space<vmem>>
      %dma_wait3A_874 = arith.constant 0 : i32
      %dma_wait3A_875 = tpu.memref_slice %arg5[%dma_wait3A_866, %dma_wait3A_867, %dma_wait3A_874] : memref<2x16x50xi32, #tpu.memory_space<vmem>> -> memref<1x1x50xi32, #tpu.memory_space<vmem>>
      %dma_wait3A_876 = tpu.memref_squeeze %dma_wait3A_875 : memref<1x1x50xi32, #tpu.memory_space<vmem>> -> memref<50xi32, #tpu.memory_space<vmem>>
      %dma_wait3A_877 = arith.constant 0 : i32
      %dma_wait3A_878 = arith.constant 0 : i32
      %dma_wait3A_879 = tpu.memref_slice %arg3[%dma_wait3A_877, %dma_wait3A_878] : memref<1000000x32xf32, #tpu.memory_space<hbm>> -> memref<1000000x32xf32, #tpu.memory_space<hbm>>
      tpu.wait_indirect_dma semaphore(%arg9 : memref<!tpu.dma_semaphore, #tpu.memory_space<semaphore_mem>>) src(%dma_wait3A_879 : memref<1000000x32xf32, #tpu.memory_space<hbm>>) dst(%dma_wait3A_873 : memref<50x32xf32, #tpu.memory_space<vmem>>)
      %dma_wait3A_880 = arith.constant 1 : i32
      %dma_wait3A_881 = arith.constant 5 : i32
      %dma_wait3A_882 = arith.constant 1 : i32
      %dma_wait3A_883 = arith.constant 5 : i32
      %dma_wait3A_884 = arith.constant 0 : i32
      %dma_wait3A_885 = arith.constant 0 : i32
      %dma_wait3A_886 = tpu.memref_slice %arg6[%dma_wait3A_882, %dma_wait3A_883, %dma_wait3A_884, %dma_wait3A_885] : memref<2x16x50x32xf32, #tpu.memory_space<vmem>> -> memref<1x1x50x32xf32, #tpu.memory_space<vmem>>
      %dma_wait3A_887 = tpu.memref_squeeze %dma_wait3A_886 : memref<1x1x50x32xf32, #tpu.memory_space<vmem>> -> memref<50x32xf32, #tpu.memory_space<vmem>>
      %dma_wait3A_888 = arith.constant 0 : i32
      %dma_wait3A_889 = tpu.memref_slice %arg5[%dma_wait3A_880, %dma_wait3A_881, %dma_wait3A_888] : memref<2x16x50xi32, #tpu.memory_space<vmem>> -> memref<1x1x50xi32, #tpu.memory_space<vmem>>
      %dma_wait3A_890 = tpu.memref_squeeze %dma_wait3A_889 : memref<1x1x50xi32, #tpu.memory_space<vmem>> -> memref<50xi32, #tpu.memory_space<vmem>>
      %dma_wait3A_891 = arith.constant 0 : i32
      %dma_wait3A_892 = arith.constant 0 : i32
      %dma_wait3A_893 = tpu.memref_slice %arg3[%dma_wait3A_891, %dma_wait3A_892] : memref<1000000x32xf32, #tpu.memory_space<hbm>> -> memref<1000000x32xf32, #tpu.memory_space<hbm>>
      tpu.wait_indirect_dma semaphore(%arg9 : memref<!tpu.dma_semaphore, #tpu.memory_space<semaphore_mem>>) src(%dma_wait3A_893 : memref<1000000x32xf32, #tpu.memory_space<hbm>>) dst(%dma_wait3A_887 : memref<50x32xf32, #tpu.memory_space<vmem>>)
      %dma_wait3A_894 = arith.constant 1 : i32
      %dma_wait3A_895 = arith.constant 6 : i32
      %dma_wait3A_896 = arith.constant 1 : i32
      %dma_wait3A_897 = arith.constant 6 : i32
      %dma_wait3A_898 = arith.constant 0 : i32
      %dma_wait3A_899 = arith.constant 0 : i32
      %dma_wait3A_900 = tpu.memref_slice %arg6[%dma_wait3A_896, %dma_wait3A_897, %dma_wait3A_898, %dma_wait3A_899] : memref<2x16x50x32xf32, #tpu.memory_space<vmem>> -> memref<1x1x50x32xf32, #tpu.memory_space<vmem>>
      %dma_wait3A_901 = tpu.memref_squeeze %dma_wait3A_900 : memref<1x1x50x32xf32, #tpu.memory_space<vmem>> -> memref<50x32xf32, #tpu.memory_space<vmem>>
      %dma_wait3A_902 = arith.constant 0 : i32
      %dma_wait3A_903 = tpu.memref_slice %arg5[%dma_wait3A_894, %dma_wait3A_895, %dma_wait3A_902] : memref<2x16x50xi32, #tpu.memory_space<vmem>> -> memref<1x1x50xi32, #tpu.memory_space<vmem>>
      %dma_wait3A_904 = tpu.memref_squeeze %dma_wait3A_903 : memref<1x1x50xi32, #tpu.memory_space<vmem>> -> memref<50xi32, #tpu.memory_space<vmem>>
      %dma_wait3A_905 = arith.constant 0 : i32
      %dma_wait3A_906 = arith.constant 0 : i32
      %dma_wait3A_907 = tpu.memref_slice %arg3[%dma_wait3A_905, %dma_wait3A_906] : memref<1000000x32xf32, #tpu.memory_space<hbm>> -> memref<1000000x32xf32, #tpu.memory_space<hbm>>
      tpu.wait_indirect_dma semaphore(%arg9 : memref<!tpu.dma_semaphore, #tpu.memory_space<semaphore_mem>>) src(%dma_wait3A_907 : memref<1000000x32xf32, #tpu.memory_space<hbm>>) dst(%dma_wait3A_901 : memref<50x32xf32, #tpu.memory_space<vmem>>)
      %dma_wait3A_908 = arith.constant 1 : i32
      %dma_wait3A_909 = arith.constant 7 : i32
      %dma_wait3A_910 = arith.constant 1 : i32
      %dma_wait3A_911 = arith.constant 7 : i32
      %dma_wait3A_912 = arith.constant 0 : i32
      %dma_wait3A_913 = arith.constant 0 : i32
      %dma_wait3A_914 = tpu.memref_slice %arg6[%dma_wait3A_910, %dma_wait3A_911, %dma_wait3A_912, %dma_wait3A_913] : memref<2x16x50x32xf32, #tpu.memory_space<vmem>> -> memref<1x1x50x32xf32, #tpu.memory_space<vmem>>
      %dma_wait3A_915 = tpu.memref_squeeze %dma_wait3A_914 : memref<1x1x50x32xf32, #tpu.memory_space<vmem>> -> memref<50x32xf32, #tpu.memory_space<vmem>>
      %dma_wait3A_916 = arith.constant 0 : i32
      %dma_wait3A_917 = tpu.memref_slice %arg5[%dma_wait3A_908, %dma_wait3A_909, %dma_wait3A_916] : memref<2x16x50xi32, #tpu.memory_space<vmem>> -> memref<1x1x50xi32, #tpu.memory_space<vmem>>
      %dma_wait3A_918 = tpu.memref_squeeze %dma_wait3A_917 : memref<1x1x50xi32, #tpu.memory_space<vmem>> -> memref<50xi32, #tpu.memory_space<vmem>>
      %dma_wait3A_919 = arith.constant 0 : i32
      %dma_wait3A_920 = arith.constant 0 : i32
      %dma_wait3A_921 = tpu.memref_slice %arg3[%dma_wait3A_919, %dma_wait3A_920] : memref<1000000x32xf32, #tpu.memory_space<hbm>> -> memref<1000000x32xf32, #tpu.memory_space<hbm>>
      tpu.wait_indirect_dma semaphore(%arg9 : memref<!tpu.dma_semaphore, #tpu.memory_space<semaphore_mem>>) src(%dma_wait3A_921 : memref<1000000x32xf32, #tpu.memory_space<hbm>>) dst(%dma_wait3A_915 : memref<50x32xf32, #tpu.memory_space<vmem>>)
      %dma_wait3A_922 = arith.constant 1 : i32
      %dma_wait3A_923 = arith.constant 8 : i32
      %dma_wait3A_924 = arith.constant 1 : i32
      %dma_wait3A_925 = arith.constant 8 : i32
      %dma_wait3A_926 = arith.constant 0 : i32
      %dma_wait3A_927 = arith.constant 0 : i32
      %dma_wait3A_928 = tpu.memref_slice %arg6[%dma_wait3A_924, %dma_wait3A_925, %dma_wait3A_926, %dma_wait3A_927] : memref<2x16x50x32xf32, #tpu.memory_space<vmem>> -> memref<1x1x50x32xf32, #tpu.memory_space<vmem>>
      %dma_wait3A_929 = tpu.memref_squeeze %dma_wait3A_928 : memref<1x1x50x32xf32, #tpu.memory_space<vmem>> -> memref<50x32xf32, #tpu.memory_space<vmem>>
      %dma_wait3A_930 = arith.constant 0 : i32
      %dma_wait3A_931 = tpu.memref_slice %arg5[%dma_wait3A_922, %dma_wait3A_923, %dma_wait3A_930] : memref<2x16x50xi32, #tpu.memory_space<vmem>> -> memref<1x1x50xi32, #tpu.memory_space<vmem>>
      %dma_wait3A_932 = tpu.memref_squeeze %dma_wait3A_931 : memref<1x1x50xi32, #tpu.memory_space<vmem>> -> memref<50xi32, #tpu.memory_space<vmem>>
      %dma_wait3A_933 = arith.constant 0 : i32
      %dma_wait3A_934 = arith.constant 0 : i32
      %dma_wait3A_935 = tpu.memref_slice %arg3[%dma_wait3A_933, %dma_wait3A_934] : memref<1000000x32xf32, #tpu.memory_space<hbm>> -> memref<1000000x32xf32, #tpu.memory_space<hbm>>
      tpu.wait_indirect_dma semaphore(%arg9 : memref<!tpu.dma_semaphore, #tpu.memory_space<semaphore_mem>>) src(%dma_wait3A_935 : memref<1000000x32xf32, #tpu.memory_space<hbm>>) dst(%dma_wait3A_929 : memref<50x32xf32, #tpu.memory_space<vmem>>)
      %dma_wait3A_936 = arith.constant 1 : i32
      %dma_wait3A_937 = arith.constant 9 : i32
      %dma_wait3A_938 = arith.constant 1 : i32
      %dma_wait3A_939 = arith.constant 9 : i32
      %dma_wait3A_940 = arith.constant 0 : i32
      %dma_wait3A_941 = arith.constant 0 : i32
      %dma_wait3A_942 = tpu.memref_slice %arg6[%dma_wait3A_938, %dma_wait3A_939, %dma_wait3A_940, %dma_wait3A_941] : memref<2x16x50x32xf32, #tpu.memory_space<vmem>> -> memref<1x1x50x32xf32, #tpu.memory_space<vmem>>
      %dma_wait3A_943 = tpu.memref_squeeze %dma_wait3A_942 : memref<1x1x50x32xf32, #tpu.memory_space<vmem>> -> memref<50x32xf32, #tpu.memory_space<vmem>>
      %dma_wait3A_944 = arith.constant 0 : i32
      %dma_wait3A_945 = tpu.memref_slice %arg5[%dma_wait3A_936, %dma_wait3A_937, %dma_wait3A_944] : memref<2x16x50xi32, #tpu.memory_space<vmem>> -> memref<1x1x50xi32, #tpu.memory_space<vmem>>
      %dma_wait3A_946 = tpu.memref_squeeze %dma_wait3A_945 : memref<1x1x50xi32, #tpu.memory_space<vmem>> -> memref<50xi32, #tpu.memory_space<vmem>>
      %dma_wait3A_947 = arith.constant 0 : i32
      %dma_wait3A_948 = arith.constant 0 : i32
      %dma_wait3A_949 = tpu.memref_slice %arg3[%dma_wait3A_947, %dma_wait3A_948] : memref<1000000x32xf32, #tpu.memory_space<hbm>> -> memref<1000000x32xf32, #tpu.memory_space<hbm>>
      tpu.wait_indirect_dma semaphore(%arg9 : memref<!tpu.dma_semaphore, #tpu.memory_space<semaphore_mem>>) src(%dma_wait3A_949 : memref<1000000x32xf32, #tpu.memory_space<hbm>>) dst(%dma_wait3A_943 : memref<50x32xf32, #tpu.memory_space<vmem>>)
      %dma_wait3A_950 = arith.constant 1 : i32
      %dma_wait3A_951 = arith.constant 10 : i32
      %dma_wait3A_952 = arith.constant 1 : i32
      %dma_wait3A_953 = arith.constant 10 : i32
      %dma_wait3A_954 = arith.constant 0 : i32
      %dma_wait3A_955 = arith.constant 0 : i32
      %dma_wait3A_956 = tpu.memref_slice %arg6[%dma_wait3A_952, %dma_wait3A_953, %dma_wait3A_954, %dma_wait3A_955] : memref<2x16x50x32xf32, #tpu.memory_space<vmem>> -> memref<1x1x50x32xf32, #tpu.memory_space<vmem>>
      %dma_wait3A_957 = tpu.memref_squeeze %dma_wait3A_956 : memref<1x1x50x32xf32, #tpu.memory_space<vmem>> -> memref<50x32xf32, #tpu.memory_space<vmem>>
      %dma_wait3A_958 = arith.constant 0 : i32
      %dma_wait3A_959 = tpu.memref_slice %arg5[%dma_wait3A_950, %dma_wait3A_951, %dma_wait3A_958] : memref<2x16x50xi32, #tpu.memory_space<vmem>> -> memref<1x1x50xi32, #tpu.memory_space<vmem>>
      %dma_wait3A_960 = tpu.memref_squeeze %dma_wait3A_959 : memref<1x1x50xi32, #tpu.memory_space<vmem>> -> memref<50xi32, #tpu.memory_space<vmem>>
      %dma_wait3A_961 = arith.constant 0 : i32
      %dma_wait3A_962 = arith.constant 0 : i32
      %dma_wait3A_963 = tpu.memref_slice %arg3[%dma_wait3A_961, %dma_wait3A_962] : memref<1000000x32xf32, #tpu.memory_space<hbm>> -> memref<1000000x32xf32, #tpu.memory_space<hbm>>
      tpu.wait_indirect_dma semaphore(%arg9 : memref<!tpu.dma_semaphore, #tpu.memory_space<semaphore_mem>>) src(%dma_wait3A_963 : memref<1000000x32xf32, #tpu.memory_space<hbm>>) dst(%dma_wait3A_957 : memref<50x32xf32, #tpu.memory_space<vmem>>)
      %dma_wait3A_964 = arith.constant 1 : i32
      %dma_wait3A_965 = arith.constant 11 : i32
      %dma_wait3A_966 = arith.constant 1 : i32
      %dma_wait3A_967 = arith.constant 11 : i32
      %dma_wait3A_968 = arith.constant 0 : i32
      %dma_wait3A_969 = arith.constant 0 : i32
      %dma_wait3A_970 = tpu.memref_slice %arg6[%dma_wait3A_966, %dma_wait3A_967, %dma_wait3A_968, %dma_wait3A_969] : memref<2x16x50x32xf32, #tpu.memory_space<vmem>> -> memref<1x1x50x32xf32, #tpu.memory_space<vmem>>
      %dma_wait3A_971 = tpu.memref_squeeze %dma_wait3A_970 : memref<1x1x50x32xf32, #tpu.memory_space<vmem>> -> memref<50x32xf32, #tpu.memory_space<vmem>>
      %dma_wait3A_972 = arith.constant 0 : i32
      %dma_wait3A_973 = tpu.memref_slice %arg5[%dma_wait3A_964, %dma_wait3A_965, %dma_wait3A_972] : memref<2x16x50xi32, #tpu.memory_space<vmem>> -> memref<1x1x50xi32, #tpu.memory_space<vmem>>
      %dma_wait3A_974 = tpu.memref_squeeze %dma_wait3A_973 : memref<1x1x50xi32, #tpu.memory_space<vmem>> -> memref<50xi32, #tpu.memory_space<vmem>>
      %dma_wait3A_975 = arith.constant 0 : i32
      %dma_wait3A_976 = arith.constant 0 : i32
      %dma_wait3A_977 = tpu.memref_slice %arg3[%dma_wait3A_975, %dma_wait3A_976] : memref<1000000x32xf32, #tpu.memory_space<hbm>> -> memref<1000000x32xf32, #tpu.memory_space<hbm>>
      tpu.wait_indirect_dma semaphore(%arg9 : memref<!tpu.dma_semaphore, #tpu.memory_space<semaphore_mem>>) src(%dma_wait3A_977 : memref<1000000x32xf32, #tpu.memory_space<hbm>>) dst(%dma_wait3A_971 : memref<50x32xf32, #tpu.memory_space<vmem>>)
      %dma_wait3A_978 = arith.constant 1 : i32
      %dma_wait3A_979 = arith.constant 12 : i32
      %dma_wait3A_980 = arith.constant 1 : i32
      %dma_wait3A_981 = arith.constant 12 : i32
      %dma_wait3A_982 = arith.constant 0 : i32
      %dma_wait3A_983 = arith.constant 0 : i32
      %dma_wait3A_984 = tpu.memref_slice %arg6[%dma_wait3A_980, %dma_wait3A_981, %dma_wait3A_982, %dma_wait3A_983] : memref<2x16x50x32xf32, #tpu.memory_space<vmem>> -> memref<1x1x50x32xf32, #tpu.memory_space<vmem>>
      %dma_wait3A_985 = tpu.memref_squeeze %dma_wait3A_984 : memref<1x1x50x32xf32, #tpu.memory_space<vmem>> -> memref<50x32xf32, #tpu.memory_space<vmem>>
      %dma_wait3A_986 = arith.constant 0 : i32
      %dma_wait3A_987 = tpu.memref_slice %arg5[%dma_wait3A_978, %dma_wait3A_979, %dma_wait3A_986] : memref<2x16x50xi32, #tpu.memory_space<vmem>> -> memref<1x1x50xi32, #tpu.memory_space<vmem>>
      %dma_wait3A_988 = tpu.memref_squeeze %dma_wait3A_987 : memref<1x1x50xi32, #tpu.memory_space<vmem>> -> memref<50xi32, #tpu.memory_space<vmem>>
      %dma_wait3A_989 = arith.constant 0 : i32
      %dma_wait3A_990 = arith.constant 0 : i32
      %dma_wait3A_991 = tpu.memref_slice %arg3[%dma_wait3A_989, %dma_wait3A_990] : memref<1000000x32xf32, #tpu.memory_space<hbm>> -> memref<1000000x32xf32, #tpu.memory_space<hbm>>
      tpu.wait_indirect_dma semaphore(%arg9 : memref<!tpu.dma_semaphore, #tpu.memory_space<semaphore_mem>>) src(%dma_wait3A_991 : memref<1000000x32xf32, #tpu.memory_space<hbm>>) dst(%dma_wait3A_985 : memref<50x32xf32, #tpu.memory_space<vmem>>)
      %dma_wait3A_992 = arith.constant 1 : i32
      %dma_wait3A_993 = arith.constant 13 : i32
      %dma_wait3A_994 = arith.constant 1 : i32
      %dma_wait3A_995 = arith.constant 13 : i32
      %dma_wait3A_996 = arith.constant 0 : i32
      %dma_wait3A_997 = arith.constant 0 : i32
      %dma_wait3A_998 = tpu.memref_slice %arg6[%dma_wait3A_994, %dma_wait3A_995, %dma_wait3A_996, %dma_wait3A_997] : memref<2x16x50x32xf32, #tpu.memory_space<vmem>> -> memref<1x1x50x32xf32, #tpu.memory_space<vmem>>
      %dma_wait3A_999 = tpu.memref_squeeze %dma_wait3A_998 : memref<1x1x50x32xf32, #tpu.memory_space<vmem>> -> memref<50x32xf32, #tpu.memory_space<vmem>>
      %dma_wait3A_1000 = arith.constant 0 : i32
      %dma_wait3A_1001 = tpu.memref_slice %arg5[%dma_wait3A_992, %dma_wait3A_993, %dma_wait3A_1000] : memref<2x16x50xi32, #tpu.memory_space<vmem>> -> memref<1x1x50xi32, #tpu.memory_space<vmem>>
      %dma_wait3A_1002 = tpu.memref_squeeze %dma_wait3A_1001 : memref<1x1x50xi32, #tpu.memory_space<vmem>> -> memref<50xi32, #tpu.memory_space<vmem>>
      %dma_wait3A_1003 = arith.constant 0 : i32
      %dma_wait3A_1004 = arith.constant 0 : i32
      %dma_wait3A_1005 = tpu.memref_slice %arg3[%dma_wait3A_1003, %dma_wait3A_1004] : memref<1000000x32xf32, #tpu.memory_space<hbm>> -> memref<1000000x32xf32, #tpu.memory_space<hbm>>
      tpu.wait_indirect_dma semaphore(%arg9 : memref<!tpu.dma_semaphore, #tpu.memory_space<semaphore_mem>>) src(%dma_wait3A_1005 : memref<1000000x32xf32, #tpu.memory_space<hbm>>) dst(%dma_wait3A_999 : memref<50x32xf32, #tpu.memory_space<vmem>>)
      %dma_wait3A_1006 = arith.constant 1 : i32
      %dma_wait3A_1007 = arith.constant 14 : i32
      %dma_wait3A_1008 = arith.constant 1 : i32
      %dma_wait3A_1009 = arith.constant 14 : i32
      %dma_wait3A_1010 = arith.constant 0 : i32
      %dma_wait3A_1011 = arith.constant 0 : i32
      %dma_wait3A_1012 = tpu.memref_slice %arg6[%dma_wait3A_1008, %dma_wait3A_1009, %dma_wait3A_1010, %dma_wait3A_1011] : memref<2x16x50x32xf32, #tpu.memory_space<vmem>> -> memref<1x1x50x32xf32, #tpu.memory_space<vmem>>
      %dma_wait3A_1013 = tpu.memref_squeeze %dma_wait3A_1012 : memref<1x1x50x32xf32, #tpu.memory_space<vmem>> -> memref<50x32xf32, #tpu.memory_space<vmem>>
      %dma_wait3A_1014 = arith.constant 0 : i32
      %dma_wait3A_1015 = tpu.memref_slice %arg5[%dma_wait3A_1006, %dma_wait3A_1007, %dma_wait3A_1014] : memref<2x16x50xi32, #tpu.memory_space<vmem>> -> memref<1x1x50xi32, #tpu.memory_space<vmem>>
      %dma_wait3A_1016 = tpu.memref_squeeze %dma_wait3A_1015 : memref<1x1x50xi32, #tpu.memory_space<vmem>> -> memref<50xi32, #tpu.memory_space<vmem>>
      %dma_wait3A_1017 = arith.constant 0 : i32
      %dma_wait3A_1018 = arith.constant 0 : i32
      %dma_wait3A_1019 = tpu.memref_slice %arg3[%dma_wait3A_1017, %dma_wait3A_1018] : memref<1000000x32xf32, #tpu.memory_space<hbm>> -> memref<1000000x32xf32, #tpu.memory_space<hbm>>
      tpu.wait_indirect_dma semaphore(%arg9 : memref<!tpu.dma_semaphore, #tpu.memory_space<semaphore_mem>>) src(%dma_wait3A_1019 : memref<1000000x32xf32, #tpu.memory_space<hbm>>) dst(%dma_wait3A_1013 : memref<50x32xf32, #tpu.memory_space<vmem>>)
      %dma_wait3A_1020 = arith.constant 1 : i32
      %dma_wait3A_1021 = arith.constant 15 : i32
      %dma_wait3A_1022 = arith.constant 1 : i32
      %dma_wait3A_1023 = arith.constant 15 : i32
      %dma_wait3A_1024 = arith.constant 0 : i32
      %dma_wait3A_1025 = arith.constant 0 : i32
      %dma_wait3A_1026 = tpu.memref_slice %arg6[%dma_wait3A_1022, %dma_wait3A_1023, %dma_wait3A_1024, %dma_wait3A_1025] : memref<2x16x50x32xf32, #tpu.memory_space<vmem>> -> memref<1x1x50x32xf32, #tpu.memory_space<vmem>>
      %dma_wait3A_1027 = tpu.memref_squeeze %dma_wait3A_1026 : memref<1x1x50x32xf32, #tpu.memory_space<vmem>> -> memref<50x32xf32, #tpu.memory_space<vmem>>
      %dma_wait3A_1028 = arith.constant 0 : i32
      %dma_wait3A_1029 = tpu.memref_slice %arg5[%dma_wait3A_1020, %dma_wait3A_1021, %dma_wait3A_1028] : memref<2x16x50xi32, #tpu.memory_space<vmem>> -> memref<1x1x50xi32, #tpu.memory_space<vmem>>
      %dma_wait3A_1030 = tpu.memref_squeeze %dma_wait3A_1029 : memref<1x1x50xi32, #tpu.memory_space<vmem>> -> memref<50xi32, #tpu.memory_space<vmem>>
      %dma_wait3A_1031 = arith.constant 0 : i32
      %dma_wait3A_1032 = arith.constant 0 : i32
      %dma_wait3A_1033 = tpu.memref_slice %arg3[%dma_wait3A_1031, %dma_wait3A_1032] : memref<1000000x32xf32, #tpu.memory_space<hbm>> -> memref<1000000x32xf32, #tpu.memory_space<hbm>>
      tpu.wait_indirect_dma semaphore(%arg9 : memref<!tpu.dma_semaphore, #tpu.memory_space<semaphore_mem>>) src(%dma_wait3A_1033 : memref<1000000x32xf32, #tpu.memory_space<hbm>>) dst(%dma_wait3A_1027 : memref<50x32xf32, #tpu.memory_space<vmem>>)
      %mul3A_1034 = arith.constant 16 : i32
      %mul3A_1035 = arith.muli %add3A_558, %mul3A_1034 : i32
      %dma_start3A_1036 = arith.constant 1 : i32
      %dma_start3A_1037 = arith.constant 0 : i32
      %dma_start3A_1038 = arith.constant 0 : i32
      %dma_start3A_1039 = arith.constant 0 : i32
      %dma_start3A_1040 = tpu.memref_slice %arg6[%dma_start3A_1036, %dma_start3A_1037, %dma_start3A_1038, %dma_start3A_1039] : memref<2x16x50x32xf32, #tpu.memory_space<vmem>> -> memref<1x16x50x32xf32, #tpu.memory_space<vmem>>
      %dma_start3A_1041 = tpu.memref_squeeze %dma_start3A_1040 : memref<1x16x50x32xf32, #tpu.memory_space<vmem>> -> memref<16x50x32xf32, #tpu.memory_space<vmem>>
      %dma_start3A_1042 = arith.constant 0 : i32
      %dma_start3A_1043 = arith.constant 0 : i32
      %dma_start3A_1044 = tpu.memref_slice %arg4[%mul3A_1035, %dma_start3A_1042, %dma_start3A_1043] : memref<16384x50x32xf32, #tpu.memory_space<hbm>> -> memref<16x50x32xf32, #tpu.memory_space<hbm>>
      %dma_start3A_1045 = arith.constant 0 : i32
      %dma_start3A_1046 = arith.constant 0 : i32
      %dma_start3A_1047 = tpu.memref_slice %arg4[%mul3A_1035, %dma_start3A_1045, %dma_start3A_1046] : memref<16384x50x32xf32, #tpu.memory_space<hbm>> -> memref<16x50x32xf32, #tpu.memory_space<hbm>>
      %dma_start3A_1048 = arith.constant 0 : i32
      %dma_start3A_1049 = arith.constant 0 : i32
      %dma_start3A_1050 = arith.constant 0 : i32
      %dma_start3A_1051 = tpu.memref_slice %arg6[%dma_start3A_1036, %dma_start3A_1048, %dma_start3A_1049, %dma_start3A_1050] : memref<2x16x50x32xf32, #tpu.memory_space<vmem>> -> memref<1x16x50x32xf32, #tpu.memory_space<vmem>>
      %dma_start3A_1052 = tpu.memref_squeeze %dma_start3A_1051 : memref<1x16x50x32xf32, #tpu.memory_space<vmem>> -> memref<16x50x32xf32, #tpu.memory_space<vmem>>
      tpu.enqueue_dma source(%dma_start3A_1052 : memref<16x50x32xf32, #tpu.memory_space<vmem>>) target(%dma_start3A_1047 : memref<16x50x32xf32, #tpu.memory_space<hbm>>) target_semaphore(%arg11 : memref<!tpu.dma_semaphore, #tpu.memory_space<semaphore_mem>>)
    }
    %scan3A_20 = arith.constant 16 : i32
    %dma_wait3A = arith.constant 0 : i32
    %dma_wait3A_21 = arith.constant 0 : i32
    %dma_wait3A_22 = arith.constant 0 : i32
    %dma_wait3A_23 = arith.constant 0 : i32
    %dma_wait3A_24 = tpu.memref_slice %arg6[%dma_wait3A, %dma_wait3A_21, %dma_wait3A_22, %dma_wait3A_23] : memref<2x16x50x32xf32, #tpu.memory_space<vmem>> -> memref<1x16x50x32xf32, #tpu.memory_space<vmem>>
    %dma_wait3A_25 = tpu.memref_squeeze %dma_wait3A_24 : memref<1x16x50x32xf32, #tpu.memory_space<vmem>> -> memref<16x50x32xf32, #tpu.memory_space<vmem>>
    %dma_wait3A_26 = arith.constant 0 : i32
    %dma_wait3A_27 = arith.constant 0 : i32
    %dma_wait3A_28 = arith.constant 0 : i32
    %dma_wait3A_29 = tpu.memref_slice %arg4[%dma_wait3A_26, %dma_wait3A_27, %dma_wait3A_28] : memref<16384x50x32xf32, #tpu.memory_space<hbm>> -> memref<16x50x32xf32, #tpu.memory_space<hbm>>
    %dma_wait3A_30 = arith.constant 0 : i32
    %dma_wait3A_31 = arith.constant 0 : i32
    %dma_wait3A_32 = arith.constant 0 : i32
    %dma_wait3A_33 = tpu.memref_slice %arg4[%dma_wait3A_30, %dma_wait3A_31, %dma_wait3A_32] : memref<16384x50x32xf32, #tpu.memory_space<hbm>> -> memref<16x50x32xf32, #tpu.memory_space<hbm>>
    %dma_wait3A_34 = arith.constant 0 : i32
    %dma_wait3A_35 = arith.constant 0 : i32
    %dma_wait3A_36 = arith.constant 0 : i32
    %dma_wait3A_37 = tpu.memref_slice %arg6[%dma_wait3A, %dma_wait3A_34, %dma_wait3A_35, %dma_wait3A_36] : memref<2x16x50x32xf32, #tpu.memory_space<vmem>> -> memref<1x16x50x32xf32, #tpu.memory_space<vmem>>
    %dma_wait3A_38 = tpu.memref_squeeze %dma_wait3A_37 : memref<1x16x50x32xf32, #tpu.memory_space<vmem>> -> memref<16x50x32xf32, #tpu.memory_space<vmem>>
    tpu.wait_dma2 semaphore(%arg10 : memref<!tpu.dma_semaphore, #tpu.memory_space<semaphore_mem>>) src(%dma_wait3A_38 : memref<16x50x32xf32, #tpu.memory_space<vmem>>) dst(%dma_wait3A_33 : memref<16x50x32xf32, #tpu.memory_space<hbm>>)
    %dma_wait3A_39 = arith.constant 1 : i32
    %dma_wait3A_40 = arith.constant 0 : i32
    %dma_wait3A_41 = arith.constant 0 : i32
    %dma_wait3A_42 = arith.constant 0 : i32
    %dma_wait3A_43 = tpu.memref_slice %arg6[%dma_wait3A_39, %dma_wait3A_40, %dma_wait3A_41, %dma_wait3A_42] : memref<2x16x50x32xf32, #tpu.memory_space<vmem>> -> memref<1x16x50x32xf32, #tpu.memory_space<vmem>>
    %dma_wait3A_44 = tpu.memref_squeeze %dma_wait3A_43 : memref<1x16x50x32xf32, #tpu.memory_space<vmem>> -> memref<16x50x32xf32, #tpu.memory_space<vmem>>
    %dma_wait3A_45 = arith.constant 0 : i32
    %dma_wait3A_46 = arith.constant 0 : i32
    %dma_wait3A_47 = arith.constant 0 : i32
    %dma_wait3A_48 = tpu.memref_slice %arg4[%dma_wait3A_45, %dma_wait3A_46, %dma_wait3A_47] : memref<16384x50x32xf32, #tpu.memory_space<hbm>> -> memref<16x50x32xf32, #tpu.memory_space<hbm>>
    %dma_wait3A_49 = arith.constant 0 : i32
    %dma_wait3A_50 = arith.constant 0 : i32
    %dma_wait3A_51 = arith.constant 0 : i32
    %dma_wait3A_52 = tpu.memref_slice %arg4[%dma_wait3A_49, %dma_wait3A_50, %dma_wait3A_51] : memref<16384x50x32xf32, #tpu.memory_space<hbm>> -> memref<16x50x32xf32, #tpu.memory_space<hbm>>
    %dma_wait3A_53 = arith.constant 0 : i32
    %dma_wait3A_54 = arith.constant 0 : i32
    %dma_wait3A_55 = arith.constant 0 : i32
    %dma_wait3A_56 = tpu.memref_slice %arg6[%dma_wait3A_39, %dma_wait3A_53, %dma_wait3A_54, %dma_wait3A_55] : memref<2x16x50x32xf32, #tpu.memory_space<vmem>> -> memref<1x16x50x32xf32, #tpu.memory_space<vmem>>
    %dma_wait3A_57 = tpu.memref_squeeze %dma_wait3A_56 : memref<1x16x50x32xf32, #tpu.memory_space<vmem>> -> memref<16x50x32xf32, #tpu.memory_space<vmem>>
    tpu.wait_dma2 semaphore(%arg11 : memref<!tpu.dma_semaphore, #tpu.memory_space<semaphore_mem>>) src(%dma_wait3A_57 : memref<16x50x32xf32, #tpu.memory_space<vmem>>) dst(%dma_wait3A_52 : memref<16x50x32xf32, #tpu.memory_space<hbm>>)
    return
  }
}

</mosaic_0001>

<sc_bundles>
// kernel: kernel.3.cloned.1.call-start
scs
__scs_entry_jumppad:
0x0: {  	(pc) =	sbr.rel $0x88, $3  }
0x1: {  	(tag) =	ssettag $0x0;
	lr =	simm.s32 $0x1  }
0x2: {  	[smem:$0x3F9F] =	sst lr;
	_ =	strace $0xD0000000  }
0x3: {  	_ = 	snop  }
0x4: {  	_ = 	snop  }
0x5: {  	_ = 	snop  }
0x6: {  	_ = 	snop  }
0x7: {  	_ = 	snop  }
__scs_overlays_trampoline_lowered:
0x8: {  	[smem:$0x3FAE] =	sst s0  }
0x9: {  	[smem:$0x3FAF] =	sst s1  }
0xa: {  	[smem:$0x3FB0] =	sst s2  }
0xb: {  	[smem:$0x3FB1] =	sst s3  }
0xc: {  	[smem:$0x3FB2] =	sst s4  }
0xd: {  	[smem:$0x3FB3] =	sst s5  }
0xe: {  	[smem:$0x3FB4] =	sst s6  }
0xf: {  	[smem:$0x3FB5] =	sst s7  }
0x10: {  	[smem:$0x3FB6] =	sst s8  }
0x11: {  	[smem:$0x3FB7] =	sst s9;
	s0 =	simm.s32 @!p0 $0x0  }
0x12: {  	s1 =	sld [smem:$0x3F9D];
	s0 =	simm.s32 @p0 $0x1  }
0x13: {  	[smem:$0x3FB8] =	sst s0;
	s0 =	simm.s32 @!p1 $0x0  }
0x14: {  	s2 =	sld [smem:$0x3F9C];
	s0 =	simm.s32 @p1 $0x1  }
0x15: {  	[smem:$0x3FB9] =	sst s0;
	s0 =	simm.s32 @!p2 $0x0  }
0x16: {  	s3 =	sld [smem:$0x3FDB];
	s0 =	simm.s32 @p2 $0x1  }
0x17: {  	s4 =	simm.s32 $0x1BF5;
	[smem:$0x3FBB] =	sst s0  }
0x18: {  	s0 =	sld [smem:$0x3F9E];
	_ =	swait.ge [sflag:s4], $0x0  }
0x19: {  	s7 =	sld [smem:$0x3F9F]  }
0x1a: {  	s8 =	sadd.s32 $0xFFFFE003, lr  }
0x1b: {  	s9 =	sadd.s32 $0xFFFFFEF7, lr;
	s5 =	simm.s32 $0xFFFFFFFF;
	p2 =	slt.u32 s8, $0xFFFFF086  }
0x1c: {  	p1 =	slt.u32 s9, $0xF7A;
	s5 =	simm.s32 @!p2 $0x0  }
0x1d: {  	s5 =	simm.s32 @p1 $0x1;
	p0 =	seq.s32 s7, s2  }
0x1e: {  	s7 =	smul.u32 @!p0 $0xF7A, s2;
	p2 =	seq.s32 @!p0 s5, $0x0  }
0x1f: {  	s9 =	smul.u32 $0xF7A, s1;
	s8 =	simm.s32 @!p0 $0x1BF5;
	p2 =	por !p2, p0  }
0x20: {  	[sflag:s8] =	ssyncset.s32 @!p0 $0xFFFFF086;
	s6 =	sadd.s32 @!p0 s3, s7;
	s7 =	simm.s32 @!p0 $0x108  }
0x21: {  	s3 =	sadd.s32 s3, s9;
	s6 =	sadd.s32 @!p0 $0x88, s6;
	s7 =	simm.s32 @p2 $0x1082  }
0x22: {  	[simem:s7], [sflag:s8] =	dma.local @!p0 [hbm:s6], $0xF7A  }
0x23: {  	s9 =	sor.u32 $0xD0000000, s2;
	s6 =	simm.s32 $0x108;
	_ =	swait.ge @!p0 [sflag:s8], $0x0  }
0x24: {  	s3 =	sadd.s32 $0x88, s3;
	s6 =	simm.s32 @!p1 $0x1082;
	[sflag:s4] =	ssyncset.s32 $0xFFFFF086  }
0x25: {  	[simem:s6], [sflag:s4] =	dma.local [hbm:s3], $0xF7A  }
0x26: {  	[smem:$0x3F9F] =	sst s1;
	(tag) =	ssettag s2;
	_ =	strace s9  }
0x27: {  	s1 =	sld [smem:$0x3FAF]  }
0x28: {  	s2 =	sld [smem:$0x3FB0]  }
0x29: {  	s4 =	sld [smem:$0x3FB2]  }
0x2a: {  	p0 =	seq.s32 s5, $0x0;
	s5 =	sld [smem:$0x3FB3]  }
0x2b: {  	s6 =	sld [smem:$0x3FB4]  }
0x2c: {  	s7 =	sld [smem:$0x3FB5]  }
0x2d: {  	s3 =	simm.s32 $0x108;
	s8 =	sld [smem:$0x3FB6]  }
0x2e: {  	s3 =	simm.s32 @!p0 $0x1082;
	s9 =	sld [smem:$0x3FB7]  }
0x2f: {  	lr =	sadd.s32 s0, s3;
	s0 =	sld [smem:$0x3FAE]  }
0x30: {  	s3 =	sld [smem:$0x3FB1]  }
0x31: {  	[smem:$0x3FBA] =	sst s10  }
0x32: {  	s10 =	sld [smem:$0x3FB8];
	_ =	sdelay $0x3  }
0x33: {  	p0 =	seq.s32 s10, $0x1;
	s10 =	sld [smem:$0x3FBA];
	_ =	sdelay $0x3  }
0x34: {  	[smem:$0x3FBA] =	sst s10  }
0x35: {  	s10 =	sld [smem:$0x3FB9];
	_ =	sdelay $0x3  }
0x36: {  	p1 =	seq.s32 s10, $0x1;
	s10 =	sld [smem:$0x3FBA];
	_ =	sdelay $0x3  }
0x37: {  	[smem:$0x3FBA] =	sst s10  }
0x38: {  	s10 =	sld [smem:$0x3FBB]  }
0x39: {  	_ = 	snop;
	(pc) =	sbr.ind lr, $3  }
0x3a: {  	_ = 	snop  }
0x3b: {  	_ = 	snop  }
0x3c: {  	p2 =	seq.s32 s10, $0x1;
	s10 =	sld [smem:$0x3FBA]  }
0x3d: {  	_ =	shalt  }
0x3e: {  	_ =	shalt  }
0x3f: {  	_ =	shalt  }
0x40: {  	_ =	shalt  }
0x41: {  	_ =	shalt  }
0x42: {  	_ =	shalt  }
0x43: {  	_ =	shalt  }
0x44: {  	_ =	shalt  }
0x45: {  	_ =	shalt  }
0x46: {  	_ =	shalt  }
0x47: {  	_ =	shalt  }
0x48: {  	_ =	shalt  }
0x49: {  	_ =	shalt  }
0x4a: {  	_ =	shalt  }
0x4b: {  	_ =	shalt  }
0x4c: {  	_ =	shalt  }
0x4d: {  	_ =	shalt  }
0x4e: {  	_ =	shalt  }
0x4f: {  	_ =	shalt  }
0x50: {  	_ =	shalt  }
0x51: {  	_ =	shalt  }
0x52: {  	_ =	shalt  }
0x53: {  	_ =	shalt  }
0x54: {  	_ =	shalt  }
0x55: {  	_ =	shalt  }
0x56: {  	_ =	shalt  }
0x57: {  	_ =	shalt  }
0x58: {  	_ =	shalt  }
0x59: {  	_ =	shalt  }
0x5a: {  	_ =	shalt  }
0x5b: {  	_ =	shalt  }
0x5c: {  	_ =	shalt  }
0x5d: {  	_ =	shalt  }
0x5e: {  	_ =	shalt  }
0x5f: {  	_ =	shalt  }
0x60: {  	_ =	shalt  }
0x61: {  	_ =	shalt  }
0x62: {  	_ =	shalt  }
0x63: {  	_ =	shalt  }
0x64: {  	_ =	shalt  }
0x65: {  	_ =	shalt  }
0x66: {  	_ =	shalt  }
0x67: {  	_ =	shalt  }
0x68: {  	_ =	shalt  }
0x69: {  	_ =	shalt  }
0x6a: {  	_ =	shalt  }
0x6b: {  	_ =	shalt  }
0x6c: {  	_ =	shalt  }
0x6d: {  	_ =	shalt  }
0x6e: {  	_ =	shalt  }
0x6f: {  	_ =	shalt  }
0x70: {  	_ =	shalt  }
0x71: {  	_ =	shalt  }
0x72: {  	_ =	shalt  }
0x73: {  	_ =	shalt  }
0x74: {  	_ =	shalt  }
0x75: {  	_ =	shalt  }
0x76: {  	_ =	shalt  }
0x77: {  	_ =	shalt  }
0x78: {  	_ =	shalt  }
0x79: {  	_ =	shalt  }
0x7a: {  	_ =	shalt  }
0x7b: {  	_ =	shalt  }
0x7c: {  	_ =	shalt  }
0x7d: {  	_ =	shalt  }
0x7e: {  	_ =	shalt  }
0x7f: {  	_ =	shalt  }
0x80: {  	_ =	shalt  }
0x81: {  	_ =	shalt  }
0x82: {  	_ =	shalt  }
0x83: {  	_ =	shalt  }
0x84: {  	_ =	shalt  }
0x85: {  	_ =	shalt  }
0x86: {  	_ =	shalt  }
0x87: {  	_ =	shalt  }
.Lfunc_end0:
.L_simem_size_0:
called_computation.1_lowered:
.L_overlay_start_0:
0x88: {  	s2 =	sld [smem:$0x3FD9]  }
0x89: {  	s3 =	sld [smem:$0x3FFE];
	_ =	sdelay $0x1  }
0x8a: {  	s1 =	srdreg.scid  }
0x8b: {  	s0 =	sand.u32 $0x1, s1  }
0x8c: {  	s17 =	sshll.u32 s0, $0xA;
	s2 =	sadd.s32 s3, s2  }
0x8d: {  	s2 =	sadd.s32 s2, s17  }
0x8e: {  	[smem:$0x3FC6] =	sst s2  }
0x8f: {  	_ = 	snop  }
0x90: {  	s2 =	sld [smem:$0x3FD0];
	(tm) =	ssettm $0x1  }
0x91: {  	s18 =	sld [smem:$0x3FFB];
	_ =	sdelay $0x3  }
0x92: {  	_ =	strace s18  }
0x93: {  	s3 =	sld [smem:$0x3FFC];
	_ =	sdelay $0x3  }
0x94: {  	_ =	strace s3  }
0x95: {  	s3 =	sld [smem:$0x3FFD];
	_ =	sdelay $0x3  }
0x96: {  	_ =	strace s3  }
0x97: {  	_ =	strace $0x8FFFFFFF  }
0x98: {  	s19 =	sld [smem:$0x3FDB];
	_ =	sdelay $0x1  }
0x99: {  	s4 =	simm.s32 $_scs_section_size  }
0x9a: {  	s5 =	simm.s32 $_size__tile_overlayer_lowered;
	s6 =	simm.s32 $_tile_overlayer_lowered  }
0x9b: {  	s22 =	simm.s32 $0x1BFF;
	s21 =	sshll.u32 s6, $0x1;
	s3 =	sadd.s32 s4, s19  }
0x9c: {  	s7 =	simm.s32 $0x0;
	s20 =	sshll.u32 s5, $0x1;
	s5 =	sadd.s32 s21, s3  }
0x9d: {  	[timem:s7], [sflag:s22] =	dma.local [hbm:s5], s20  }
0x9e: {  	_ =	swait.ge [sflag:s22], s20  }
0x9f: {  	s4 =	ssub.s32 $0x0, s20;
	[sflag:s22] =	ssyncset.done $0x0  }
0xa0: {  	[sflag:s22] =	ssyncadd.s32 s4;
	_ =	sdelay $0x1  }
0xa1: {  	s23 =	simm.s32 $0x1B8B  }
0xa2: {  	_ =	swait.ge [sflag:s23], $0x1  }
0xa3: {  	[sflag:s23] =	ssyncset.done $0x0  }
0xa4: {  	s25 =	simm.s32 $0x1B8E;
	s24 =	sld [smem:$0x3FFE];
	[sflag:s23] =	ssyncadd.s32 $0xFFFFFFFF  }
0xa5: {  	s26 =	simm.s32 $execute0_lowered;
	[smem:$0x3FD2] =	sst s25  }
0xa6: {  	s5 =	sshll.u32 s26, $0x1;
	_ =	strace $0x80000046;
	[dreg:$0x1] =	wrdreg $0xFFFFFFFF  }
0xa7: {  	s28 =	simm.s32 $_size_execute0_lowered;
	s3 =	sadd.s32 s3, s5;
	[dreg:$0x0] =	wrdreg $0x0  }
0xa8: {  	s5 =	sshll.u32 s28, $0x1;
	[dreg:$0x2] =	wrdreg s3  }
0xa9: {  	[dreg:$0x3] =	wrdreg s5  }
0xaa: {  	[dreg:$0x4] =	wrdreg $0xC0  }
0xab: {  	_ =	task [dreg:s7], $0x5FFFF  }
0xac: {  	[dreg:$0x1] =	wrdreg $0xFFFFFFFF  }
0xad: {  	[dreg:$0x0] =	wrdreg $0x60  }
0xae: {  	[dreg:$0x2] =	wrdreg s24  }
0xaf: {  	[dreg:$0x3] =	wrdreg s2  }
0xb0: {  	[dreg:$0x4] =	wrdreg $0x9  }
0xb1: {  	_ =	task.clear_ibuf [dreg:s7], $0x5FFFF;
	_ =	strace $0x90000046  }
0xb2: {  	s29 =	simm.s32 $0x9;
	_ =	strace $0x80000048  }
0xb3: {  	_ =	swait.ge [sflag:s29], $0x1  }
0xb4: {  	[sflag:s29] =	ssyncadd.s32 $0xFFFFFFFF  }
0xb5: {  	_ =	strace $0x90000048  }
0xb6: {  	_ =	sfence  }
0xb7: {  	s30 =	sld [smem:$0x0];
	_ =	sdelay $0x2  }
0xb8: {  	s31 =	sshll.u32 s1, $0xD;
	s1 =	sshrl.u32 s1, $0x2  }
0xb9: {  	s3 =	sand.u32 $0x4000, s31;
	s1 =	sadd.s32 s1, s30  }
0xba: {  	s0 =	sor.u32 s3, s0;
	s1 =	sshll.u32 s1, $0x11  }
0xbb: {  	s0 =	sor.u32 s1, s0  }
0xbc: {  	s0 =	sadd.s32 $0x8F2B, s0  }
0xbd: {  	[sflag:s0] =	ssyncadd.remote.s32 $0x1  }
0xbe: {  	_ =	sfence.sel $0xFFFF  }
0xbf: {  	[dreg:$0x0] =	wrdreg $0xFFFFFFFF;
	(pc) =	sbr.abs _section_cstart, $3  }
0xc0: {  	[dreg:$0x1] =	wrdreg $0xFFFFFFFF  }
0xc1: {  	_ =	task.clear_ibuf [dreg:s7], $0x2FFFF;
	_ =	strace $0x9FFFFFFF  }
0xc2: {  	(tm) =	ssettm $0x7FFFFFFF  }
0xc3: {  	_ =	shalt  }
tec
execute0_lowered:
.L_overlay_start_1:
0x0: {  	(tag) =	ssettag $0x1  }
0x1: {  	s3 =	rddreg [dreg:$0x0]  }
0x2: {  	s1 =	rddreg [dreg:$0x1];
	s2 =	simm.s32 $0x0  }
0x3: {  	s26 =	simm.s32 $0x38;
	[smem:$0x7FF] =	sst s2  }
0x4: {  	s28 =	simm.s32 $0xD40;
	_ =	strace $0x80000047;
	[dreg:$0x5] =	wrdreg s26  }
0x5: {  	s29 =	simm.s32 $0x70;
	[dreg:$0x6] =	wrdreg s28  }
0x6: {  	s30 =	simm.s32 $0x1380;
	[dreg:$0x7] =	wrdreg s29  }
0x7: {  	s31 =	simm.s32 $0xA8;
	[dreg:$0x8] =	wrdreg s30  }
0x8: {  	s7 =	simm.s32 $0xE0;
	[dreg:$0x9] =	wrdreg s31  }
0x9: {  	s8 =	simm.s32 $0x2000;
	[dreg:$0xb] =	wrdreg s7  }
0xa: {  	s10 =	simm.s32 $0x118;
	[dreg:$0xc] =	wrdreg s8  }
0xb: {  	s11 =	simm.s32 $0x2640;
	[dreg:$0xd] =	wrdreg s10  }
0xc: {  	s12 =	simm.s32 $0x150;
	[dreg:$0xe] =	wrdreg s11  }
0xd: {  	s13 =	simm.s32 $0x2C80;
	[dreg:$0xf] =	wrdreg s12  }
0xe: {  	s14 =	simm.s32 $0x188;
	[dreg:$0x10] =	wrdreg s13  }
0xf: {  	s15 =	simm.s32 $0x32C0;
	[dreg:$0x11] =	wrdreg s14  }
0x10: {  	s16 =	simm.s32 $0x1C0;
	[dreg:$0x12] =	wrdreg s15  }
0x11: {  	s17 =	simm.s32 $0x3900;
	[dreg:$0x13] =	wrdreg s16  }
0x12: {  	s18 =	simm.s32 $0x1F8;
	[dreg:$0x14] =	wrdreg s17  }
0x13: {  	s19 =	simm.s32 $0x3F40;
	[dreg:$0x15] =	wrdreg s18  }
0x14: {  	s20 =	simm.s32 $0x230;
	[dreg:$0x16] =	wrdreg s19  }
0x15: {  	s21 =	simm.s32 $0x4580;
	[dreg:$0x17] =	wrdreg s20  }
0x16: {  	s22 =	simm.s32 $0x268;
	[dreg:$0x18] =	wrdreg s21  }
0x17: {  	s23 =	simm.s32 $0x4BC0;
	[dreg:$0x19] =	wrdreg s22  }
0x18: {  	s24 =	simm.s32 $0x2A0;
	[dreg:$0x1a] =	wrdreg s23  }
0x19: {  	s25 =	simm.s32 $0x5200;
	[dreg:$0x1b] =	wrdreg s24  }
0x1a: {  	[dreg:$0x1c] =	wrdreg s25;
	s26 =	simm.s32 $0x2D8  }
0x1b: {  	s28 =	simm.s32 $0x5840;
	[dreg:$0x1d] =	wrdreg s26  }
0x1c: {  	s29 =	simm.s32 $0x310;
	[dreg:$0x1e] =	wrdreg s28  }
0x1d: {  	s30 =	simm.s32 $0x5E80;
	[dreg:$0x1f] =	wrdreg s29  }
0x1e: {  	s10 =	simm.s32 $0x348;
	[smem:$0x7E7] =	sst s30  }
0x1f: {  	s11 =	simm.s32 $0x64C0;
	[smem:$0x7E8] =	sst s10  }
0x20: {  	s0 =	srdreg.scid;
	s12 =	simm.s32 $0x3B8;
	[smem:$0x7E9] =	sst s11  }
0x21: {  	s9 =	stileid.u32;
	s13 =	simm.s32 $0x7140;
	[smem:$0x7EA] =	sst s12  }
0x22: {  	s0 =	sand.u32 $0x1, s0;
	s14 =	simm.s32 $0x3F0;
	[smem:$0x7EB] =	sst s13  }
0x23: {  	s4 =	smul.u32 $0xE000, s9;
	s15 =	simm.s32 $0x7780;
	[smem:$0x7EC] =	sst s14  }
0x24: {  	s5 =	smul.u32 $0x7000, s0;
	s16 =	simm.s32 $0x428;
	[smem:$0x7EE] =	sst s15  }
0x25: {  	s31 =	ssub.s32 $0x2, s0;
	s18 =	simm.s32 $0x7DC0;
	[smem:$0x7F0] =	sst s16  }
0x26: {  	s8 =	sshll.u32 s9, $0x1;
	s20 =	simm.s32 $0x460;
	[smem:$0x7F1] =	sst s18  }
0x27: {  	s19 =	smul.u32 $0x32000, s9;
	s21 =	simm.s32 $0x8400;
	[smem:$0x7F2] =	sst s20  }
0x28: {  	s22 =	simm.s32 $0x498;
	s23 =	simm.s32 $0x8A40;
	[smem:$0x7F3] =	sst s21  }
0x29: {  	s24 =	simm.s32 $0x4D0;
	s25 =	simm.s32 $0x9080;
	[smem:$0x7F4] =	sst s22  }
0x2a: {  	s9 =	simm.s32 $0x700;
	s7 =	sshrl.u32 s31, $0x1;
	[smem:$0x7F6] =	sst s23  }
0x2b: {  	s8 =	sor.u32 s0, s8;
	s0 =	smul.u32 $0x19000, s0;
	[smem:$0x7F7] =	sst s24  }
0x2c: {  	[smem:$0x7F8] =	sst s25;
	s26 =	simm.s32 $0x508;
	s28 =	simm.s32 $0x96C0  }
0x2d: {  	s10 =	simm.s32 $0x380;
	s29 =	simm.s32 $0x540;
	s11 =	simm.s32 $0x3  }
0x2e: {  	s30 =	simm.s32 $0x9D00;
	s12 =	simm.s32 $0x2;
	s13 =	simm.s32 $0x6B00  }
0x2f: {  	s14 =	simm.s32 $0xA340;
	s15 =	simm.s32 $0x5B0;
	s16 =	simm.s32 $0xA980  }
0x30: {  	s18 =	simm.s32 $0xAFC0;
	s20 =	simm.s32 $0xB600;
	s21 =	simm.s32 $0x658  }
0x31: {  	s22 =	simm.s32 $0xBC40;
	s23 =	simm.s32 $0x690;
	s24 =	simm.s32 $0xC280  }
0x32: {  	s25 =	simm.s32 $0x6C8;
	s5 =	sadd.s32 s5, s4;
	[smem:$0x7F9] =	sst s26  }
0x33: {  	s4 =	sadd.s32 $0xA00, s3;
	s3 =	sadd.s32 $0xF42E00, s3;
	[smem:$0x7FA] =	sst s28  }
0x34: {  	s8 =	smul.u32 $0xE00, s8;
	s1 =	sadd.s32 s19, s1;
	[smem:$0x7FB] =	sst s29  }
0x35: {  	[smem:$0x7FC] =	sst s30;
	s6 =	sor.u32 $0x700, s5;
	s0 =	sadd.s32 s0, s1  }
0x36: {  	s5 =	sor.u32 $0x380, s5;
	s6 =	sshrl.u32 s6, $0x3;
	s0 =	sadd.s32 $0xC80, s0  }
0x37: {  	s5 =	sshrl.u32 s5, $0x3;
	s6 =	sadd.s32 s6, s4;
	[smem:$0x7F5] =	sst s0  }
0x38: {  	s19 =	simm.s32 $0x620;
	s5 =	sadd.s32 s5, s4;
	[dreg:$0x3] =	wrdreg s6  }
0x39: {  	s26 =	simm.s32 $0xC8C0;
	s4 =	sadd.s32 s4, s8;
	[dreg:$0x4] =	wrdreg s5  }
0x3a: {  	s8 =	simm.s32 $0x32;
	s6 =	simm.s32 $0x19C0;
	[smem:$0x7ED] =	sst s4  }
0x3b: {  	[dreg:$0xa] =	wrdreg s6;
	s6 =	ssub.s32 s31, s7;
	s31 =	simm.s32 $0x578  }
0x3c: {  	s4 =	simm.s32 $0x0;
	s17 =	smax.u32 s6, $0x1;
	[smem:$0x7FD] =	sst s31  }
0x3d: {  	s7 =	simm.s32 $0x1;
	[smem:$0x7EF] =	sst s17;
	s17 =	simm.s32 $0x5E8  }
.LBB2_1:
0x3e: {  	s0 =	sld [smem:$0x7ED];
	_ =	sdelay $0x1  }
0x3f: {  	[smem:$0x7E6] =	sst s4  }
0x40: {  	[tilespmem:s2], [sflag:$0x1] =	stream.linear.gather [hbm4b:s0+s2], $0x380, $0x38;
	[tilespmem:$0xCF00] =	vst v63  }
0x41: {  	_ =	swait.ge [sflag:s7], $0x380  }
0x42: {  	p0 =	por $0x1, $0x1;
	[sflag:s7] =	ssyncset.done $0x0  }
0x43: {  	s1 =	simm.s32 @!p0 $0x4;
	[sflag:s7] =	ssyncadd.s32 $0xFFFFFC80  }
0x44: {  	_ =	swait.ge @!p0 [sflag:s1], $0x6400  }
0x45: {  	s28 =	rddreg [dreg:$0x7]  }
0x46: {  	s5 =	rddreg [dreg:$0x5]  }
0x47: {  	[sflag:s1] =	ssyncset.done @!p0 $0x0;
	s6 =	rddreg [dreg:$0x6]  }
0x48: {  	s29 =	rddreg [dreg:$0x8];
	[sflag:s1] =	ssyncadd.s32 @!p0 $0xFFFF9C00  }
0x49: {  	[tilespmem:s9], [sflag:$0x3] =	stream.indirect.gather [hbm4b:s3+s8], $0x20, s2, s8, $0xb8;
	[tilespmem:$0xCF00] =	vst v63  }
0x4a: {  	s30 =	rddreg [dreg:$0xa]  }
0x4b: {  	[tilespmem:s6], [sflag:$0x3] =	stream.indirect.gather [hbm4b:s3+s8], $0x20, s5, s8, $0xb8;
	[tilespmem:$0xCF00] =	vst v63  }
0x4c: {  	s0 =	rddreg [dreg:$0x9]  }
0x4d: {  	[tilespmem:s29], [sflag:$0x3] =	stream.indirect.gather [hbm4b:s3+s8], $0x20, s28, s8, $0xb8;
	[tilespmem:$0xCF00] =	vst v63  }
0x4e: {  	s28 =	rddreg [dreg:$0xb]  }
0x4f: {  	s29 =	rddreg [dreg:$0xc]  }
0x50: {  	[tilespmem:s30], [sflag:$0x3] =	stream.indirect.gather [hbm4b:s3+s8], $0x20, s0, s8, $0xb8;
	[tilespmem:$0xCF00] =	vst v63  }
0x51: {  	s30 =	rddreg [dreg:$0xd]  }
0x52: {  	s0 =	rddreg [dreg:$0xe]  }
0x53: {  	[tilespmem:s29], [sflag:$0x3] =	stream.indirect.gather [hbm4b:s3+s8], $0x20, s28, s8, $0xb8;
	[tilespmem:$0xCF00] =	vst v63  }
0x54: {  	s28 =	rddreg [dreg:$0xf]  }
0x55: {  	s29 =	rddreg [dreg:$0x10]  }
0x56: {  	[tilespmem:s0], [sflag:$0x3] =	stream.indirect.gather [hbm4b:s3+s8], $0x20, s30, s8, $0xb8;
	[tilespmem:$0xCF00] =	vst v63  }
0x57: {  	s30 =	rddreg [dreg:$0x12]  }
0x58: {  	s0 =	rddreg [dreg:$0x11]  }
0x59: {  	[tilespmem:s29], [sflag:$0x3] =	stream.indirect.gather [hbm4b:s3+s8], $0x20, s28, s8, $0xb8;
	[tilespmem:$0xCF00] =	vst v63  }
0x5a: {  	s28 =	rddreg [dreg:$0x14]  }
0x5b: {  	s29 =	rddreg [dreg:$0x13]  }
0x5c: {  	[tilespmem:s30], [sflag:$0x3] =	stream.indirect.gather [hbm4b:s3+s8], $0x20, s0, s8, $0xb8;
	[tilespmem:$0xCF00] =	vst v63  }
0x5d: {  	s30 =	rddreg [dreg:$0x16]  }
0x5e: {  	s0 =	rddreg [dreg:$0x15]  }
0x5f: {  	[tilespmem:s28], [sflag:$0x3] =	stream.indirect.gather [hbm4b:s3+s8], $0x20, s29, s8, $0xb8;
	[tilespmem:$0xCF00] =	vst v63  }
0x60: {  	s28 =	rddreg [dreg:$0x18]  }
0x61: {  	s29 =	rddreg [dreg:$0x17]  }
0x62: {  	[tilespmem:s30], [sflag:$0x3] =	stream.indirect.gather [hbm4b:s3+s8], $0x20, s0, s8, $0xb8;
	[tilespmem:$0xCF00] =	vst v63  }
0x63: {  	s30 =	rddreg [dreg:$0x1a]  }
0x64: {  	s0 =	rddreg [dreg:$0x19]  }
0x65: {  	[tilespmem:s28], [sflag:$0x3] =	stream.indirect.gather [hbm4b:s3+s8], $0x20, s29, s8, $0xb8;
	[tilespmem:$0xCF00] =	vst v63  }
0x66: {  	s28 =	rddreg [dreg:$0x1c]  }
0x67: {  	s29 =	rddreg [dreg:$0x1b]  }
0x68: {  	[tilespmem:s30], [sflag:$0x3] =	stream.indirect.gather [hbm4b:s3+s8], $0x20, s0, s8, $0xb8;
	[tilespmem:$0xCF00] =	vst v63  }
0x69: {  	s30 =	rddreg [dreg:$0x1e]  }
0x6a: {  	s0 =	rddreg [dreg:$0x1d]  }
0x6b: {  	[tilespmem:s28], [sflag:$0x3] =	stream.indirect.gather [hbm4b:s3+s8], $0x20, s29, s8, $0xb8;
	[tilespmem:$0xCF00] =	vst v63  }
0x6c: {  	s28 =	sld [smem:$0x7E7]  }
0x6d: {  	s29 =	rddreg [dreg:$0x1f]  }
0x6e: {  	[tilespmem:s30], [sflag:$0x3] =	stream.indirect.gather [hbm4b:s3+s8], $0x20, s0, s8, $0xb8;
	[tilespmem:$0xCF00] =	vst v63  }
0x6f: {  	s30 =	sld [smem:$0x7E9]  }
0x70: {  	s0 =	sld [smem:$0x7E8]  }
0x71: {  	[tilespmem:s28], [sflag:$0x3] =	stream.indirect.gather [hbm4b:s3+s8], $0x20, s29, s8, $0xb8;
	[tilespmem:$0xCF00] =	vst v63  }
0x72: {  	s4 =	rddreg [dreg:$0x4]  }
0x73: {  	[tilespmem:s30], [sflag:$0x3] =	stream.indirect.gather [hbm4b:s3+s8], $0x20, s0, s8, $0xb8;
	[tilespmem:$0xCF00] =	vst v63  }
0x74: {  	s1 =	sadd.s32 $0x0, s4  }
0x75: {  	[tilespmem:s10], [sflag:$0x2] =	stream.linear.gather [hbm4b:s1+s2], $0x380, $0x38;
	[tilespmem:$0xCF00] =	vst v63  }
0x76: {  	_ =	swait.ge [sflag:s11], $0x640  }
0x77: {  	[sflag:s11] =	ssyncset.done $0x0  }
0x78: {  	[sflag:s11] =	ssyncadd.s32 $0xFFFFF9C0  }
0x79: {  	_ =	swait.ge [sflag:s11], $0x640  }
0x7a: {  	[sflag:s11] =	ssyncset.done $0x0  }
0x7b: {  	[sflag:s11] =	ssyncadd.s32 $0xFFFFF9C0  }
0x7c: {  	_ =	swait.ge [sflag:s11], $0x640  }
0x7d: {  	[sflag:s11] =	ssyncset.done $0x0  }
0x7e: {  	[sflag:s11] =	ssyncadd.s32 $0xFFFFF9C0  }
0x7f: {  	_ =	swait.ge [sflag:s11], $0x640  }
0x80: {  	[sflag:s11] =	ssyncset.done $0x0  }
0x81: {  	[sflag:s11] =	ssyncadd.s32 $0xFFFFF9C0  }
0x82: {  	_ =	swait.ge [sflag:s11], $0x640  }
0x83: {  	[sflag:s11] =	ssyncset.done $0x0  }
0x84: {  	[sflag:s11] =	ssyncadd.s32 $0xFFFFF9C0  }
0x85: {  	_ =	swait.ge [sflag:s11], $0x640  }
0x86: {  	[sflag:s11] =	ssyncset.done $0x0  }
0x87: {  	[sflag:s11] =	ssyncadd.s32 $0xFFFFF9C0  }
0x88: {  	_ =	swait.ge [sflag:s11], $0x640  }
0x89: {  	[sflag:s11] =	ssyncset.done $0x0  }
0x8a: {  	[sflag:s11] =	ssyncadd.s32 $0xFFFFF9C0  }
0x8b: {  	_ =	swait.ge [sflag:s11], $0x640  }
0x8c: {  	[sflag:s11] =	ssyncset.done $0x0  }
0x8d: {  	[sflag:s11] =	ssyncadd.s32 $0xFFFFF9C0  }
0x8e: {  	_ =	swait.ge [sflag:s11], $0x640  }
0x8f: {  	[sflag:s11] =	ssyncset.done $0x0  }
0x90: {  	[sflag:s11] =	ssyncadd.s32 $0xFFFFF9C0  }
0x91: {  	_ =	swait.ge [sflag:s11], $0x640  }
0x92: {  	[sflag:s11] =	ssyncset.done $0x0  }
0x93: {  	[sflag:s11] =	ssyncadd.s32 $0xFFFFF9C0  }
0x94: {  	_ =	swait.ge [sflag:s11], $0x640  }
0x95: {  	[sflag:s11] =	ssyncset.done $0x0  }
0x96: {  	[sflag:s11] =	ssyncadd.s32 $0xFFFFF9C0  }
0x97: {  	_ =	swait.ge [sflag:s11], $0x640  }
0x98: {  	[sflag:s11] =	ssyncset.done $0x0  }
0x99: {  	[sflag:s11] =	ssyncadd.s32 $0xFFFFF9C0  }
0x9a: {  	_ =	swait.ge [sflag:s11], $0x640  }
0x9b: {  	[sflag:s11] =	ssyncset.done $0x0  }
0x9c: {  	[sflag:s11] =	ssyncadd.s32 $0xFFFFF9C0  }
0x9d: {  	_ =	swait.ge [sflag:s11], $0x640  }
0x9e: {  	[sflag:s11] =	ssyncset.done $0x0  }
0x9f: {  	[sflag:s11] =	ssyncadd.s32 $0xFFFFF9C0  }
0xa0: {  	_ =	swait.ge [sflag:s11], $0x640  }
0xa1: {  	[sflag:s11] =	ssyncset.done $0x0  }
0xa2: {  	[sflag:s11] =	ssyncadd.s32 $0xFFFFF9C0  }
0xa3: {  	_ =	swait.ge [sflag:s11], $0x640  }
0xa4: {  	s31 =	sld [smem:$0x7F5];
	_ =	sdelay $0x1  }
0xa5: {  	[sflag:s11] =	ssyncset.done $0x0  }
0xa6: {  	[sflag:s11] =	ssyncadd.s32 $0xFFFFF9C0;
	s5 =	sadd.s32 $0xFFFFF380, s31  }
0xa7: {  	[hbm4b:s5+s2] =	stream.linear.scatter [tilespmem:s9], [sflag:$0x4], $0x6400, $0x38;
	[tilespmem:$0xCF00] =	vst v63  }
0xa8: {  	_ =	swait.ge [sflag:s12], $0x380  }
0xa9: {  	[sflag:s12] =	ssyncset.done $0x0  }
0xaa: {  	s1 =	simm.s32 @!p0 $0x5;
	[sflag:s12] =	ssyncadd.s32 $0xFFFFFC80  }
0xab: {  	_ =	swait.ge @!p0 [sflag:s1], $0x6400  }
0xac: {  	s4 =	sld [smem:$0x7EC]  }
0xad: {  	s6 =	sld [smem:$0x7EA]  }
0xae: {  	s28 =	sld [smem:$0x7EB]  }
0xaf: {  	[sflag:s1] =	ssyncset.done @!p0 $0x0;
	s29 =	sld [smem:$0x7EE]  }
0xb0: {  	s30 =	sld [smem:$0x7F0];
	[sflag:s1] =	ssyncadd.s32 @!p0 $0xFFFF9C00  }
0xb1: {  	[tilespmem:s13], [sflag:$0x3] =	stream.indirect.gather [hbm4b:s3+s8], $0x20, s10, s8, $0xb8;
	[tilespmem:$0xCF00] =	vst v63  }
0xb2: {  	s0 =	sld [smem:$0x7F1]  }
0xb3: {  	[tilespmem:s28], [sflag:$0x3] =	stream.indirect.gather [hbm4b:s3+s8], $0x20, s6, s8, $0xb8;
	[tilespmem:$0xCF00] =	vst v63  }
0xb4: {  	s28 =	sld [smem:$0x7F3]  }
0xb5: {  	[tilespmem:s29], [sflag:$0x3] =	stream.indirect.gather [hbm4b:s3+s8], $0x20, s4, s8, $0xb8;
	[tilespmem:$0xCF00] =	vst v63  }
0xb6: {  	s29 =	sld [smem:$0x7F2]  }
0xb7: {  	[tilespmem:s0], [sflag:$0x3] =	stream.indirect.gather [hbm4b:s3+s8], $0x20, s30, s8, $0xb8;
	[tilespmem:$0xCF00] =	vst v63  }
0xb8: {  	s30 =	sld [smem:$0x7F6]  }
0xb9: {  	s0 =	sld [smem:$0x7F4]  }
0xba: {  	[tilespmem:s28], [sflag:$0x3] =	stream.indirect.gather [hbm4b:s3+s8], $0x20, s29, s8, $0xb8;
	[tilespmem:$0xCF00] =	vst v63  }
0xbb: {  	s28 =	sld [smem:$0x7F8]  }
0xbc: {  	s29 =	sld [smem:$0x7F7]  }
0xbd: {  	[tilespmem:s30], [sflag:$0x3] =	stream.indirect.gather [hbm4b:s3+s8], $0x20, s0, s8, $0xb8;
	[tilespmem:$0xCF00] =	vst v63  }
0xbe: {  	s30 =	sld [smem:$0x7FA]  }
0xbf: {  	s0 =	sld [smem:$0x7F9]  }
0xc0: {  	[tilespmem:s28], [sflag:$0x3] =	stream.indirect.gather [hbm4b:s3+s8], $0x20, s29, s8, $0xb8;
	[tilespmem:$0xCF00] =	vst v63  }
0xc1: {  	s28 =	sld [smem:$0x7FB]  }
0xc2: {  	s29 =	sld [smem:$0x7FC]  }
0xc3: {  	[tilespmem:s30], [sflag:$0x3] =	stream.indirect.gather [hbm4b:s3+s8], $0x20, s0, s8, $0xb8;
	[tilespmem:$0xCF00] =	vst v63  }
0xc4: {  	s30 =	sld [smem:$0x7FD]  }
0xc5: {  	[tilespmem:s29], [sflag:$0x3] =	stream.indirect.gather [hbm4b:s3+s8], $0x20, s28, s8, $0xb8;
	[tilespmem:$0xCF00] =	vst v63  }
0xc6: {  	_ = 	snop  }
0xc7: {  	[tilespmem:s14], [sflag:$0x3] =	stream.indirect.gather [hbm4b:s3+s8], $0x20, s30, s8, $0xb8;
	[tilespmem:$0xCF00] =	vst v63  }
0xc8: {  	_ = 	snop  }
0xc9: {  	[tilespmem:s16], [sflag:$0x3] =	stream.indirect.gather [hbm4b:s3+s8], $0x20, s15, s8, $0xb8;
	[tilespmem:$0xCF00] =	vst v63  }
0xca: {  	_ = 	snop  }
0xcb: {  	[tilespmem:s18], [sflag:$0x3] =	stream.indirect.gather [hbm4b:s3+s8], $0x20, s17, s8, $0xb8;
	[tilespmem:$0xCF00] =	vst v63  }
0xcc: {  	_ = 	snop  }
0xcd: {  	[tilespmem:s20], [sflag:$0x3] =	stream.indirect.gather [hbm4b:s3+s8], $0x20, s19, s8, $0xb8;
	[tilespmem:$0xCF00] =	vst v63  }
0xce: {  	_ = 	snop  }
0xcf: {  	[tilespmem:s22], [sflag:$0x3] =	stream.indirect.gather [hbm4b:s3+s8], $0x20, s21, s8, $0xb8;
	[tilespmem:$0xCF00] =	vst v63  }
0xd0: {  	_ = 	snop  }
0xd1: {  	[tilespmem:s24], [sflag:$0x3] =	stream.indirect.gather [hbm4b:s3+s8], $0x20, s23, s8, $0xb8;
	[tilespmem:$0xCF00] =	vst v63  }
0xd2: {  	s1 =	rddreg [dreg:$0x3];
	p0 =	por $0x0, $0x0  }
0xd3: {  	[tilespmem:s26], [sflag:$0x3] =	stream.indirect.gather [hbm4b:s3+s8], $0x20, s25, s8, $0xb8;
	[tilespmem:$0xCF00] =	vst v63  }
0xd4: {  	s1 =	sadd.s32 @!p0 $0x0, s1;
	s4 =	simm.s32 @!p0 $0x0  }
0xd5: {  	[tilespmem:s4], [sflag:$0x1] =	stream.linear.gather @!p0 [hbm4b:s1+s4], $0x380, $0x38;
	[tilespmem:$0xCF00] =	vst v63  }
0xd6: {  	_ =	swait.ge [sflag:s11], $0x640  }
0xd7: {  	[sflag:s11] =	ssyncset.done $0x0  }
0xd8: {  	[sflag:s11] =	ssyncadd.s32 $0xFFFFF9C0  }
0xd9: {  	_ =	swait.ge [sflag:s11], $0x640  }
0xda: {  	[sflag:s11] =	ssyncset.done $0x0  }
0xdb: {  	[sflag:s11] =	ssyncadd.s32 $0xFFFFF9C0  }
0xdc: {  	_ =	swait.ge [sflag:s11], $0x640  }
0xdd: {  	[sflag:s11] =	ssyncset.done $0x0  }
0xde: {  	[sflag:s11] =	ssyncadd.s32 $0xFFFFF9C0  }
0xdf: {  	_ =	swait.ge [sflag:s11], $0x640  }
0xe0: {  	[sflag:s11] =	ssyncset.done $0x0  }
0xe1: {  	[sflag:s11] =	ssyncadd.s32 $0xFFFFF9C0  }
0xe2: {  	_ =	swait.ge [sflag:s11], $0x640  }
0xe3: {  	[sflag:s11] =	ssyncset.done $0x0  }
0xe4: {  	[sflag:s11] =	ssyncadd.s32 $0xFFFFF9C0  }
0xe5: {  	_ =	swait.ge [sflag:s11], $0x640  }
0xe6: {  	[sflag:s11] =	ssyncset.done $0x0  }
0xe7: {  	[sflag:s11] =	ssyncadd.s32 $0xFFFFF9C0  }
0xe8: {  	_ =	swait.ge [sflag:s11], $0x640  }
0xe9: {  	[sflag:s11] =	ssyncset.done $0x0  }
0xea: {  	[sflag:s11] =	ssyncadd.s32 $0xFFFFF9C0  }
0xeb: {  	_ =	swait.ge [sflag:s11], $0x640  }
0xec: {  	[sflag:s11] =	ssyncset.done $0x0  }
0xed: {  	[sflag:s11] =	ssyncadd.s32 $0xFFFFF9C0  }
0xee: {  	s6 =	smov.u32 s31;
	s1 =	simm.s32 $0xE0;
	_ =	swait.ge [sflag:s11], $0x640  }
.LBB2_2:
0xef: {  	[sflag:s11] =	ssyncset.done $0x0  }
0xf0: {  	[sflag:s11] =	ssyncadd.s32 $0xFFFFF9C0  }
0xf1: {  	_ =	swait.ge [sflag:s11], $0x640  }
0xf2: {  	[sflag:s11] =	ssyncset.done $0x0  }
0xf3: {  	[sflag:s11] =	ssyncadd.s32 $0xFFFFF9C0  }
0xf4: {  	_ =	swait.ge [sflag:s11], $0x640  }
0xf5: {  	[sflag:s11] =	ssyncset.done $0x0  }
0xf6: {  	[sflag:s11] =	ssyncadd.s32 $0xFFFFF9C0  }
0xf7: {  	_ =	swait.ge [sflag:s11], $0x640  }
0xf8: {  	[sflag:s11] =	ssyncset.done $0x0  }
0xf9: {  	[sflag:s11] =	ssyncadd.s32 $0xFFFFF9C0  }
0xfa: {  	_ =	swait.ge [sflag:s11], $0x640  }
0xfb: {  	[sflag:s11] =	ssyncset.done $0x0  }
0xfc: {  	[sflag:s11] =	ssyncadd.s32 $0xFFFFF9C0  }
0xfd: {  	_ =	swait.ge [sflag:s11], $0x640  }
0xfe: {  	[sflag:s11] =	ssyncset.done $0x0  }
0xff: {  	[sflag:s11] =	ssyncadd.s32 $0xFFFFF9C0  }
0x100: {  	_ =	swait.ge [sflag:s11], $0x640  }
0x101: {  	[sflag:s11] =	ssyncset.done $0x0  }
0x102: {  	[sflag:s11] =	ssyncadd.s32 $0xFFFFF9C0  }
0x103: {  	_ =	swait.ge [sflag:s11], $0x640  }
0x104: {  	[sflag:s11] =	ssyncset.done $0x0  }
0x105: {  	[sflag:s11] =	ssyncadd.s32 $0xFFFFF9C0  }
0x106: {  	[hbm4b:s31+s2] =	stream.linear.scatter [tilespmem:s13], [sflag:$0x5], $0x6400, $0x38;
	[tilespmem:$0xCF00] =	vst v63  }
0x107: {  	s4 =	smov.u32 s1;
	_ =	swait.ge [sflag:s7], $0x380  }
0x108: {  	p1 =	seq.s32 s4, $0x0;
	[sflag:s7] =	ssyncset.done $0x0  }
0x109: {  	s0 =	simm.s32 @!p1 $0x4;
	[sflag:s7] =	ssyncadd.s32 $0xFFFFFC80  }
0x10a: {  	_ =	swait.ge @!p1 [sflag:s0], $0x6400  }
0x10b: {  	s30 =	rddreg [dreg:$0xf]  }
0x10c: {  	s14 =	rddreg [dreg:$0xd]  }
0x10d: {  	s5 =	sld [smem:$0x7E7]  }
0x10e: {  	s15 =	rddreg [dreg:$0xe]  }
0x10f: {  	s28 =	rddreg [dreg:$0x1c]  }
0x110: {  	s16 =	rddreg [dreg:$0xb]  }
0x111: {  	s29 =	rddreg [dreg:$0x18]  }
0x112: {  	s17 =	rddreg [dreg:$0xa]  }
0x113: {  	s18 =	rddreg [dreg:$0x14]  }
0x114: {  	s19 =	rddreg [dreg:$0x10]  }
0x115: {  	s20 =	rddreg [dreg:$0xc]  }
0x116: {  	s21 =	rddreg [dreg:$0x9]  }
0x117: {  	s22 =	rddreg [dreg:$0x7]  }
0x118: {  	s23 =	rddreg [dreg:$0x8]  }
0x119: {  	s24 =	rddreg [dreg:$0x5];
	[sflag:s0] =	ssyncset.done @!p1 $0x0  }
0x11a: {  	s25 =	rddreg [dreg:$0x6];
	[sflag:s0] =	ssyncadd.s32 @!p1 $0xFFFF9C00  }
0x11b: {  	[tilespmem:s9], [sflag:$0x3] =	stream.indirect.gather [hbm4b:s3+s8], $0x20, s2, s8, $0xb8;
	[tilespmem:$0xCF00] =	vst v63  }
0x11c: {  	s26 =	rddreg [dreg:$0x11]  }
0x11d: {  	[tilespmem:s25], [sflag:$0x3] =	stream.indirect.gather [hbm4b:s3+s8], $0x20, s24, s8, $0xb8;
	[tilespmem:$0xCF00] =	vst v63  }
0x11e: {  	s0 =	rddreg [dreg:$0x12]  }
0x11f: {  	[tilespmem:s23], [sflag:$0x3] =	stream.indirect.gather [hbm4b:s3+s8], $0x20, s22, s8, $0xb8;
	[tilespmem:$0xCF00] =	vst v63  }
0x120: {  	s24 =	rddreg [dreg:$0x13]  }
0x121: {  	[tilespmem:s17], [sflag:$0x3] =	stream.indirect.gather [hbm4b:s3+s8], $0x20, s21, s8, $0xb8;
	[tilespmem:$0xCF00] =	vst v63  }
0x122: {  	s22 =	rddreg [dreg:$0x16]  }
0x123: {  	[tilespmem:s20], [sflag:$0x3] =	stream.indirect.gather [hbm4b:s3+s8], $0x20, s16, s8, $0xb8;
	[tilespmem:$0xCF00] =	vst v63  }
0x124: {  	s21 =	rddreg [dreg:$0x15]  }
0x125: {  	[tilespmem:s15], [sflag:$0x3] =	stream.indirect.gather [hbm4b:s3+s8], $0x20, s14, s8, $0xb8;
	[tilespmem:$0xCF00] =	vst v63  }
0x126: {  	s16 =	rddreg [dreg:$0x17]  }
0x127: {  	[tilespmem:s19], [sflag:$0x3] =	stream.indirect.gather [hbm4b:s3+s8], $0x20, s30, s8, $0xb8;
	[tilespmem:$0xCF00] =	vst v63  }
0x128: {  	s20 =	rddreg [dreg:$0x1e]  }
0x129: {  	[tilespmem:s0], [sflag:$0x3] =	stream.indirect.gather [hbm4b:s3+s8], $0x20, s26, s8, $0xb8;
	[tilespmem:$0xCF00] =	vst v63  }
0x12a: {  	s15 =	rddreg [dreg:$0x1a]  }
0x12b: {  	[tilespmem:s18], [sflag:$0x3] =	stream.indirect.gather [hbm4b:s3+s8], $0x20, s24, s8, $0xb8;
	[tilespmem:$0xCF00] =	vst v63  }
0x12c: {  	s30 =	rddreg [dreg:$0x19]  }
0x12d: {  	[tilespmem:s22], [sflag:$0x3] =	stream.indirect.gather [hbm4b:s3+s8], $0x20, s21, s8, $0xb8;
	[tilespmem:$0xCF00] =	vst v63  }
0x12e: {  	s19 =	rddreg [dreg:$0x1b]  }
0x12f: {  	[tilespmem:s29], [sflag:$0x3] =	stream.indirect.gather [hbm4b:s3+s8], $0x20, s16, s8, $0xb8;
	[tilespmem:$0xCF00] =	vst v63  }
0x130: {  	s21 =	rddreg [dreg:$0x1d]  }
0x131: {  	[tilespmem:s15], [sflag:$0x3] =	stream.indirect.gather [hbm4b:s3+s8], $0x20, s30, s8, $0xb8;
	[tilespmem:$0xCF00] =	vst v63  }
0x132: {  	s29 =	rddreg [dreg:$0x1f]  }
0x133: {  	[tilespmem:s28], [sflag:$0x3] =	stream.indirect.gather [hbm4b:s3+s8], $0x20, s19, s8, $0xb8;
	[tilespmem:$0xCF00] =	vst v63  }
0x134: {  	s30 =	sld [smem:$0x7E9]  }
0x135: {  	[tilespmem:s20], [sflag:$0x3] =	stream.indirect.gather [hbm4b:s3+s8], $0x20, s21, s8, $0xb8;
	[tilespmem:$0xCF00] =	vst v63  }
0x136: {  	s15 =	sld [smem:$0x7E8]  }
0x137: {  	[tilespmem:s5], [sflag:$0x3] =	stream.indirect.gather [hbm4b:s3+s8], $0x20, s29, s8, $0xb8;
	[tilespmem:$0xCF00] =	vst v63  }
0x138: {  	s19 =	rddreg [dreg:$0x4]  }
0x139: {  	[tilespmem:s30], [sflag:$0x3] =	stream.indirect.gather [hbm4b:s3+s8], $0x20, s15, s8, $0xb8;
	[tilespmem:$0xCF00] =	vst v63  }
0x13a: {  	s20 =	sadd.s32 s4, s19  }
0x13b: {  	[tilespmem:s10], [sflag:$0x2] =	stream.linear.gather [hbm4b:s20+s2], $0x380, $0x38;
	[tilespmem:$0xCF00] =	vst v63  }
0x13c: {  	_ =	swait.ge [sflag:s11], $0x640  }
0x13d: {  	[sflag:s11] =	ssyncset.done $0x0  }
0x13e: {  	[sflag:s11] =	ssyncadd.s32 $0xFFFFF9C0  }
0x13f: {  	_ =	swait.ge [sflag:s11], $0x640  }
0x140: {  	[sflag:s11] =	ssyncset.done $0x0  }
0x141: {  	[sflag:s11] =	ssyncadd.s32 $0xFFFFF9C0  }
0x142: {  	_ =	swait.ge [sflag:s11], $0x640  }
0x143: {  	[sflag:s11] =	ssyncset.done $0x0  }
0x144: {  	[sflag:s11] =	ssyncadd.s32 $0xFFFFF9C0  }
0x145: {  	_ =	swait.ge [sflag:s11], $0x640  }
0x146: {  	[sflag:s11] =	ssyncset.done $0x0  }
0x147: {  	[sflag:s11] =	ssyncadd.s32 $0xFFFFF9C0  }
0x148: {  	_ =	swait.ge [sflag:s11], $0x640  }
0x149: {  	[sflag:s11] =	ssyncset.done $0x0  }
0x14a: {  	[sflag:s11] =	ssyncadd.s32 $0xFFFFF9C0  }
0x14b: {  	_ =	swait.ge [sflag:s11], $0x640  }
0x14c: {  	[sflag:s11] =	ssyncset.done $0x0  }
0x14d: {  	[sflag:s11] =	ssyncadd.s32 $0xFFFFF9C0  }
0x14e: {  	_ =	swait.ge [sflag:s11], $0x640  }
0x14f: {  	[sflag:s11] =	ssyncset.done $0x0  }
0x150: {  	[sflag:s11] =	ssyncadd.s32 $0xFFFFF9C0  }
0x151: {  	_ =	swait.ge [sflag:s11], $0x640  }
0x152: {  	[sflag:s11] =	ssyncset.done $0x0  }
0x153: {  	[sflag:s11] =	ssyncadd.s32 $0xFFFFF9C0  }
0x154: {  	_ =	swait.ge [sflag:s11], $0x640  }
0x155: {  	[sflag:s11] =	ssyncset.done $0x0  }
0x156: {  	[sflag:s11] =	ssyncadd.s32 $0xFFFFF9C0  }
0x157: {  	_ =	swait.ge [sflag:s11], $0x640  }
0x158: {  	[sflag:s11] =	ssyncset.done $0x0  }
0x159: {  	[sflag:s11] =	ssyncadd.s32 $0xFFFFF9C0  }
0x15a: {  	_ =	swait.ge [sflag:s11], $0x640  }
0x15b: {  	[sflag:s11] =	ssyncset.done $0x0  }
0x15c: {  	[sflag:s11] =	ssyncadd.s32 $0xFFFFF9C0  }
0x15d: {  	_ =	swait.ge [sflag:s11], $0x640  }
0x15e: {  	[sflag:s11] =	ssyncset.done $0x0  }
0x15f: {  	[sflag:s11] =	ssyncadd.s32 $0xFFFFF9C0  }
0x160: {  	_ =	swait.ge [sflag:s11], $0x640  }
0x161: {  	[sflag:s11] =	ssyncset.done $0x0  }
0x162: {  	[sflag:s11] =	ssyncadd.s32 $0xFFFFF9C0  }
0x163: {  	_ =	swait.ge [sflag:s11], $0x640  }
0x164: {  	[sflag:s11] =	ssyncset.done $0x0  }
0x165: {  	[sflag:s11] =	ssyncadd.s32 $0xFFFFF9C0  }
0x166: {  	_ =	swait.ge [sflag:s11], $0x640  }
0x167: {  	[sflag:s11] =	ssyncset.done $0x0  }
0x168: {  	[sflag:s11] =	ssyncadd.s32 $0xFFFFF9C0  }
0x169: {  	_ =	swait.ge [sflag:s11], $0x640  }
0x16a: {  	s6 =	sadd.s32 $0x1900, s6;
	[sflag:s11] =	ssyncset.done $0x0  }
0x16b: {  	s21 =	sadd.s32 $0xFFFFF380, s6;
	[sflag:s11] =	ssyncadd.s32 $0xFFFFF9C0  }
0x16c: {  	[hbm4b:s21+s2] =	stream.linear.scatter [tilespmem:s9], [sflag:$0x4], $0x6400, $0x38;
	[tilespmem:$0xCF00] =	vst v63  }
0x16d: {  	_ =	swait.ge [sflag:s12], $0x380  }
0x16e: {  	[sflag:s12] =	ssyncset.done $0x0  }
0x16f: {  	s0 =	simm.s32 @!p1 $0x5;
	[sflag:s12] =	ssyncadd.s32 $0xFFFFFC80  }
0x170: {  	_ =	swait.ge @!p1 [sflag:s0], $0x6400  }
0x171: {  	s5 =	sld [smem:$0x7F8]  }
0x172: {  	s14 =	sld [smem:$0x7F1]  }
0x173: {  	s15 =	sld [smem:$0x7FA]  }
0x174: {  	s16 =	sld [smem:$0x7EC]  }
0x175: {  	s17 =	sld [smem:$0x7EE]  }
0x176: {  	s28 =	sld [smem:$0x7EA]  }
0x177: {  	s29 =	sld [smem:$0x7EB]  }
0x178: {  	[sflag:s0] =	ssyncset.done @!p1 $0x0;
	s20 =	sld [smem:$0x7F6]  }
0x179: {  	s21 =	sld [smem:$0x7F3];
	[sflag:s0] =	ssyncadd.s32 @!p1 $0xFFFF9C00  }
0x17a: {  	[tilespmem:s13], [sflag:$0x3] =	stream.indirect.gather [hbm4b:s3+s8], $0x20, s10, s8, $0xb8;
	[tilespmem:$0xCF00] =	vst v63  }
0x17b: {  	s30 =	sld [smem:$0x7F2]  }
0x17c: {  	[tilespmem:s29], [sflag:$0x3] =	stream.indirect.gather [hbm4b:s3+s8], $0x20, s28, s8, $0xb8;
	[tilespmem:$0xCF00] =	vst v63  }
0x17d: {  	s0 =	sld [smem:$0x7F0]  }
0x17e: {  	[tilespmem:s17], [sflag:$0x3] =	stream.indirect.gather [hbm4b:s3+s8], $0x20, s16, s8, $0xb8;
	[tilespmem:$0xCF00] =	vst v63  }
0x17f: {  	s28 =	sld [smem:$0x7F4]  }
0x180: {  	[tilespmem:s14], [sflag:$0x3] =	stream.indirect.gather [hbm4b:s3+s8], $0x20, s0, s8, $0xb8;
	[tilespmem:$0xCF00] =	vst v63  }
0x181: {  	s29 =	sld [smem:$0x7F7]  }
0x182: {  	[tilespmem:s21], [sflag:$0x3] =	stream.indirect.gather [hbm4b:s3+s8], $0x20, s30, s8, $0xb8;
	[tilespmem:$0xCF00] =	vst v63  }
0x183: {  	s30 =	sld [smem:$0x7F9]  }
0x184: {  	[tilespmem:s20], [sflag:$0x3] =	stream.indirect.gather [hbm4b:s3+s8], $0x20, s28, s8, $0xb8;
	[tilespmem:$0xCF00] =	vst v63  }
0x185: {  	s28 =	sld [smem:$0x7FB]  }
0x186: {  	[tilespmem:s5], [sflag:$0x3] =	stream.indirect.gather [hbm4b:s3+s8], $0x20, s29, s8, $0xb8;
	[tilespmem:$0xCF00] =	vst v63  }
0x187: {  	s29 =	sld [smem:$0x7FC]  }
0x188: {  	[tilespmem:s15], [sflag:$0x3] =	stream.indirect.gather [hbm4b:s3+s8], $0x20, s30, s8, $0xb8;
	[tilespmem:$0xCF00] =	vst v63  }
0x189: {  	s30 =	sld [smem:$0x7FD]  }
0x18a: {  	[tilespmem:s29], [sflag:$0x3] =	stream.indirect.gather [hbm4b:s3+s8], $0x20, s28, s8, $0xb8;
	[tilespmem:$0xCF00] =	vst v63  }
0x18b: {  	s14 =	simm.s32 $0xA340  }
0x18c: {  	[tilespmem:s14], [sflag:$0x3] =	stream.indirect.gather [hbm4b:s3+s8], $0x20, s30, s8, $0xb8;
	[tilespmem:$0xCF00] =	vst v63  }
0x18d: {  	s16 =	simm.s32 $0xA980;
	s15 =	simm.s32 $0x5B0  }
0x18e: {  	[tilespmem:s16], [sflag:$0x3] =	stream.indirect.gather [hbm4b:s3+s8], $0x20, s15, s8, $0xb8;
	[tilespmem:$0xCF00] =	vst v63  }
0x18f: {  	s18 =	simm.s32 $0xAFC0;
	s17 =	simm.s32 $0x5E8  }
0x190: {  	[tilespmem:s18], [sflag:$0x3] =	stream.indirect.gather [hbm4b:s3+s8], $0x20, s17, s8, $0xb8;
	[tilespmem:$0xCF00] =	vst v63  }
0x191: {  	s19 =	simm.s32 $0x620;
	s20 =	simm.s32 $0xB600  }
0x192: {  	[tilespmem:s20], [sflag:$0x3] =	stream.indirect.gather [hbm4b:s3+s8], $0x20, s19, s8, $0xb8;
	[tilespmem:$0xCF00] =	vst v63  }
0x193: {  	s22 =	simm.s32 $0xBC40;
	s21 =	simm.s32 $0x658  }
0x194: {  	[tilespmem:s22], [sflag:$0x3] =	stream.indirect.gather [hbm4b:s3+s8], $0x20, s21, s8, $0xb8;
	[tilespmem:$0xCF00] =	vst v63  }
0x195: {  	s25 =	simm.s32 $0x6C8;
	s23 =	simm.s32 $0x690;
	s24 =	simm.s32 $0xC280  }
0x196: {  	[tilespmem:s24], [sflag:$0x3] =	stream.indirect.gather [hbm4b:s3+s8], $0x20, s23, s8, $0xb8;
	[tilespmem:$0xCF00] =	vst v63  }
0x197: {  	s26 =	simm.s32 $0xC8C0;
	p1 =	seq.s32 s4, $0xD20;
	s0 =	rddreg [dreg:$0x3]  }
0x198: {  	[tilespmem:s26], [sflag:$0x3] =	stream.indirect.gather [hbm4b:s3+s8], $0x20, s25, s8, $0xb8;
	[tilespmem:$0xCF00] =	vst v63  }
0x199: {  	s0 =	sadd.s32 @!p1 s4, s0;
	s5 =	simm.s32 @!p1 $0x0  }
0x19a: {  	[tilespmem:s5], [sflag:$0x1] =	stream.linear.gather @!p1 [hbm4b:s0+s5], $0x380, $0x38;
	[tilespmem:$0xCF00] =	vst v63  }
0x19b: {  	_ =	swait.ge [sflag:s11], $0x640  }
0x19c: {  	[sflag:s11] =	ssyncset.done $0x0  }
0x19d: {  	[sflag:s11] =	ssyncadd.s32 $0xFFFFF9C0  }
0x19e: {  	_ =	swait.ge [sflag:s11], $0x640  }
0x19f: {  	[sflag:s11] =	ssyncset.done $0x0  }
0x1a0: {  	[sflag:s11] =	ssyncadd.s32 $0xFFFFF9C0  }
0x1a1: {  	_ =	swait.ge [sflag:s11], $0x640  }
0x1a2: {  	[sflag:s11] =	ssyncset.done $0x0  }
0x1a3: {  	[sflag:s11] =	ssyncadd.s32 $0xFFFFF9C0  }
0x1a4: {  	_ =	swait.ge [sflag:s11], $0x640  }
0x1a5: {  	[sflag:s11] =	ssyncset.done $0x0  }
0x1a6: {  	[sflag:s11] =	ssyncadd.s32 $0xFFFFF9C0  }
0x1a7: {  	_ =	swait.ge [sflag:s11], $0x640  }
0x1a8: {  	[sflag:s11] =	ssyncset.done $0x0  }
0x1a9: {  	[sflag:s11] =	ssyncadd.s32 $0xFFFFF9C0  }
0x1aa: {  	_ =	swait.ge [sflag:s11], $0x640  }
0x1ab: {  	[sflag:s11] =	ssyncset.done $0x0  }
0x1ac: {  	[sflag:s11] =	ssyncadd.s32 $0xFFFFF9C0  }
0x1ad: {  	s1 =	sadd.s32 $0xE0, s1;
	_ =	swait.ge [sflag:s11], $0x640  }
0x1ae: {  	p0 =	sne.s32 s1, $0xE00;
	[sflag:s11] =	ssyncset.done $0x0  }
.Ltmp0:
0x1af: {  	[sflag:s11] =	ssyncadd.s32 $0xFFFFF9C0;
	(pc) =	sbr.rel @p0 .LBB2_2-.Ltmp0, $4  }
0x1b0: {  	_ =	swait.ge [sflag:s11], $0x640  }
0x1b1: {  	[sflag:s11] =	ssyncset.done $0x0  }
0x1b2: {  	[sflag:s11] =	ssyncadd.s32 $0xFFFFF9C0  }
0x1b3: {  	s31 =	smov.u32 s6;
	_ =	swait.ge [sflag:s11], $0x640  }
0x1b4: {  	[sflag:s11] =	ssyncset.done $0x0  }
0x1b5: {  	[sflag:s11] =	ssyncadd.s32 $0xFFFFF9C0  }
0x1b6: {  	_ =	swait.ge [sflag:s11], $0x640  }
0x1b7: {  	[sflag:s11] =	ssyncset.done $0x0  }
0x1b8: {  	[sflag:s11] =	ssyncadd.s32 $0xFFFFF9C0  }
0x1b9: {  	_ =	swait.ge [sflag:s11], $0x640  }
0x1ba: {  	[sflag:s11] =	ssyncset.done $0x0  }
0x1bb: {  	[sflag:s11] =	ssyncadd.s32 $0xFFFFF9C0  }
0x1bc: {  	_ =	swait.ge [sflag:s11], $0x640  }
0x1bd: {  	[sflag:s11] =	ssyncset.done $0x0  }
0x1be: {  	[sflag:s11] =	ssyncadd.s32 $0xFFFFF9C0  }
0x1bf: {  	_ =	swait.ge [sflag:s11], $0x640  }
0x1c0: {  	[sflag:s11] =	ssyncset.done $0x0  }
0x1c1: {  	[sflag:s11] =	ssyncadd.s32 $0xFFFFF9C0  }
0x1c2: {  	_ =	swait.ge [sflag:s11], $0x640  }
0x1c3: {  	[sflag:s11] =	ssyncset.done $0x0  }
0x1c4: {  	[sflag:s11] =	ssyncadd.s32 $0xFFFFF9C0  }
0x1c5: {  	_ =	swait.ge [sflag:s11], $0x640  }
0x1c6: {  	[sflag:s11] =	ssyncset.done $0x0  }
0x1c7: {  	[sflag:s11] =	ssyncadd.s32 $0xFFFFF9C0  }
0x1c8: {  	_ =	swait.ge [sflag:s11], $0x640  }
0x1c9: {  	[sflag:s11] =	ssyncset.done $0x0  }
0x1ca: {  	s0 =	simm.s32 $0x4;
	[sflag:s11] =	ssyncadd.s32 $0xFFFFF9C0  }
0x1cb: {  	[hbm4b:s31+s2] =	stream.linear.scatter [tilespmem:s13], [sflag:$0x5], $0x6400, $0x38;
	[tilespmem:$0xCF00] =	vst v63  }
0x1cc: {  	_ =	swait.ge [sflag:s0], $0x6400  }
0x1cd: {  	[sflag:s0] =	ssyncset.done $0x0  }
0x1ce: {  	s1 =	simm.s32 $0x5;
	[sflag:s0] =	ssyncadd.s32 $0xFFFF9C00  }
0x1cf: {  	_ =	swait.ge [sflag:s1], $0x6400  }
0x1d0: {  	s4 =	sld [smem:$0x7E6]  }
0x1d1: {  	s31 =	sld [smem:$0x7EF];
	_ =	sdelay $0x1  }
0x1d2: {  	s4 =	sadd.s32 $0x1, s4  }
0x1d3: {  	p0 =	sne.s32 s4, s31  }
.Ltmp1:
0x1d4: {  	_ = 	snop;
	(pc) =	sbr.rel @p0 .LBB2_1-.Ltmp1, $3  }
0x1d5: {  	_ =	sdelay $0x1  }
0x1d6: {  	[sflag:s1] =	ssyncset.done $0x0  }
0x1d7: {  	[sflag:s1] =	ssyncadd.s32 $0xFFFF9C00  }
0x1d8: {  	_ =	sfence.sel $0x180000  }
0x1d9: {  	[bflag:$0x0] =	sbarrier.arrive $0xFFFF  }
0x1da: {  	_ =	strace $0x90000047  }
0x1db: {  	s0 =	stileid.u32;
	[bflag:$0x2] =	sbarrier.arrive $0xFFFF  }
0x1dc: {  	p0 =	sne.s32 s0, $0x0;
	s0 =	rddreg [dreg:$0x2]  }
0x1dd: {  	s0 =	sadd.s32 @!p0 $0x100000, s0  }
0x1de: {  	[sflag:s0] =	ssyncadd.tile.s32 @!p0 $0x1;
	_ =	shalt  }
.Lfunc_end2:
_tile_overlayer_lowered:
.L_overlay_start_2:
0x1df: {  	(tag) =	ssettag $0x2  }
0x1e0: {  	s0 =	rddreg [dreg:$0x0];
	s2 =	stileid.u32  }
0x1e1: {  	s1 =	rddreg [dreg:$0x1];
	p0 =	sne.s32 s2, $0x0  }
0x1e2: {  	s3 =	rddreg [dreg:$0x2];
	[bflag:$0x3] =	sbarrier.arrive $0xFFFF;
	s2 =	simm.s32 @!p0 $0x1C06  }
0x1e3: {  	[timem:s3], [sflag:s2] =	dma.local @!p0 [hbm:s0], s1  }
0x1e4: {  	s0 =	simm.s32 @!p0 $0x6  }
0x1e5: {  	_ =	swait.ge @!p0 [sflag:s0], s1  }
0x1e6: {  	s1 =	ssub.s32 @!p0 $0x0, s1;
	[sflag:s0] =	ssyncset.done @!p0 $0x0  }
0x1e7: {  	[sflag:s0] =	ssyncadd.s32 @!p0 s1  }
0x1e8: {  	[bflag:$0x3] =	sbarrier.arrive $0xFFFF  }
0x1e9: {  	_ =	shalt  }

// kernel: sparse-core-data-format-call.cloned.1.call-start
scs
called_computation_lowered:
.L_overlay_start_0:
0x0: {  	s2 =	sld [smem:$0x3FD9]  }
0x1: {  	s3 =	sld [smem:$0x3FFE];
	_ =	sdelay $0x1  }
0x2: {  	s1 =	srdreg.scid  }
0x3: {  	s0 =	sand.u32 $0x1, s1  }
0x4: {  	s18 =	sshll.u32 s0, $0xA;
	s2 =	sadd.s32 s3, s2  }
0x5: {  	s2 =	sadd.s32 s2, s18  }
0x6: {  	[smem:$0x3FC6] =	sst s2  }
0x7: {  	_ = 	snop  }
0x8: {  	s2 =	sld [smem:$0x3FD0];
	(tm) =	ssettm $0x1  }
0x9: {  	s19 =	sld [smem:$0x3FFB];
	_ =	sdelay $0x3  }
0xa: {  	_ =	strace s19  }
0xb: {  	s3 =	sld [smem:$0x3FFC];
	_ =	sdelay $0x3  }
0xc: {  	_ =	strace s3  }
0xd: {  	s3 =	sld [smem:$0x3FFD];
	_ =	sdelay $0x3  }
0xe: {  	_ =	strace s3  }
0xf: {  	_ =	strace $0x8FFFFFFF  }
0x10: {  	s20 =	sld [smem:$0x3FDB];
	_ =	sdelay $0x1  }
0x11: {  	s4 =	simm.s32 $_scs_section_size  }
0x12: {  	s5 =	simm.s32 $_size__tile_overlayer_lowered;
	s6 =	simm.s32 $_tile_overlayer_lowered  }
0x13: {  	s23 =	simm.s32 $0x1BFF;
	s22 =	sshll.u32 s6, $0x1;
	s3 =	sadd.s32 s4, s20  }
0x14: {  	s7 =	simm.s32 $0x0;
	s21 =	sshll.u32 s5, $0x1;
	s5 =	sadd.s32 s22, s3  }
0x15: {  	[timem:s7], [sflag:s23] =	dma.local [hbm:s5], s21  }
0x16: {  	_ =	swait.ge [sflag:s23], s21  }
0x17: {  	s4 =	ssub.s32 $0x0, s21;
	[sflag:s23] =	ssyncset.done $0x0  }
0x18: {  	[sflag:s23] =	ssyncadd.s32 s4;
	_ =	sdelay $0x1  }
0x19: {  	s24 =	simm.s32 $0x1B8B  }
0x1a: {  	_ =	swait.ge [sflag:s24], $0x1  }
0x1b: {  	[sflag:s24] =	ssyncset.done $0x0  }
0x1c: {  	s26 =	simm.s32 $0x1B8E;
	s25 =	sld [smem:$0x3FFE];
	[sflag:s24] =	ssyncadd.s32 $0xFFFFFFFF  }
0x1d: {  	s27 =	simm.s32 $execute0_lowered;
	[smem:$0x3FD2] =	sst s26  }
0x1e: {  	s5 =	sshll.u32 s27, $0x1;
	_ =	strace $0x80000049;
	[dreg:$0x1] =	wrdreg $0xFFFFFFFF  }
0x1f: {  	s28 =	simm.s32 $_size_execute0_lowered;
	s3 =	sadd.s32 s3, s5;
	[dreg:$0x0] =	wrdreg $0x0  }
0x20: {  	s5 =	sshll.u32 s28, $0x1;
	[dreg:$0x2] =	wrdreg s3  }
0x21: {  	[dreg:$0x3] =	wrdreg s5  }
0x22: {  	[dreg:$0x4] =	wrdreg $0xC0  }
0x23: {  	_ =	task [dreg:s7], $0x5FFFF  }
0x24: {  	[dreg:$0x1] =	wrdreg $0xFFFFFFFF  }
0x25: {  	[dreg:$0x0] =	wrdreg $0x60  }
0x26: {  	[dreg:$0x2] =	wrdreg s25  }
0x27: {  	[dreg:$0x3] =	wrdreg s2  }
0x28: {  	[dreg:$0x4] =	wrdreg $0x9  }
0x29: {  	_ =	task.clear_ibuf [dreg:s7], $0x5FFFF;
	_ =	strace $0x90000049  }
0x2a: {  	s29 =	simm.s32 $0x9;
	_ =	strace $0x8000004B  }
0x2b: {  	_ =	swait.ge [sflag:s29], $0x1  }
0x2c: {  	[sflag:s29] =	ssyncadd.s32 $0xFFFFFFFF  }
0x2d: {  	_ =	strace $0x9000004B  }
0x2e: {  	_ =	sfence  }
0x2f: {  	s30 =	sld [smem:$0x0];
	_ =	sdelay $0x2  }
0x30: {  	s31 =	sshll.u32 s1, $0xD;
	s1 =	sshrl.u32 s1, $0x2  }
0x31: {  	s3 =	sand.u32 $0x4000, s31;
	s1 =	sadd.s32 s1, s30  }
0x32: {  	s0 =	sor.u32 s3, s0;
	s1 =	sshll.u32 s1, $0x11  }
0x33: {  	s0 =	sor.u32 s1, s0  }
0x34: {  	s0 =	sadd.s32 $0x8F2B, s0  }
0x35: {  	[sflag:s0] =	ssyncadd.remote.s32 $0x1  }
0x36: {  	_ =	sfence.sel $0xFFFF  }
0x37: {  	[dreg:$0x0] =	wrdreg $0xFFFFFFFF;
	(pc) =	sbr.abs _section_cstart, $3  }
0x38: {  	[dreg:$0x1] =	wrdreg $0xFFFFFFFF  }
0x39: {  	_ =	task.clear_ibuf [dreg:s7], $0x2FFFF;
	_ =	strace $0x9FFFFFFF  }
0x3a: {  	(tm) =	ssettm $0x7FFFFFFF  }
0x3b: {  	_ =	shalt  }
tec
execute0_lowered:
.L_overlay_start_1:
0x0: {  	(tag) =	ssettag $0x1  }
0x1: {  	s0 =	srdreg.scid  }
0x2: {  	s1 =	sshll.u32 s0, $0x4  }
0x3: {  	s0 =	stileid.u32;
	s1 =	sand.u32 $0x10, s1  }
0x4: {  	s1 =	sor.u32 s0, s1  }
0x5: {  	s6 =	rddreg [dreg:$0x0];
	s4 =	simm.s32 $0x1;
	s2 =	sshll.u32 s1, $0x7  }
0x6: {  	s7 =	simm.s32 $0x2;
	s12 =	simm.s32 $0x0;
	s1 =	ssub.s32 $0x4000, s2  }
0x7: {  	s8 =	simm.s32 $0x20000;
	s13 =	simm.s32 $0x0;
	s3 =	sand.u32 $0xF80, s1  }
0x8: {  	s9 =	simm.s32 $0x0;
	s5 =	sshrl.u32 s1, $0xC;
	p0 =	sne.s32 s3, $0x0  }
.Ltmp0:
0x9: {  	s1 =	rddreg [dreg:$0x2];
	s4 =	simm.s32 @!p0 $0x0;
	(pc) =	sbr.rel .LBB1_1-.Ltmp0, $4  }
0xa: {  	s11 =	simm.s32 $0x0;
	s3 =	rddreg [dreg:$0x1];
	s5 =	sadd.s32 s4, s5  }
0xb: {  	_ =	strace $0x8000004A;
	s4 =	simm.s32 $0x1;
	s5 =	smul.u32 $0x32, s5  }
0xc: {  	s6 =	sadd.s32 $0xA00, s6;
	s10 =	smov.u32 s2;
	[sflag:s4] =	ssyncpa.u1 $0x0  }
0xd: {  	p0 =	por $0x0, $0x0;
	[sflag:s7] =	ssyncpa.u1 $0x0;
	s7 =	sor.u32 $0x1, s5  }
.LBB1_4:
0xe: {  	s16 =	sshll.u32 s13, $0x3;
	s17 =	sand.u32 $0x78, s13  }
0xf: {  	s30 =	sand.u32 $0xF800, s13;
	s12 =	sshll.u32 s12, $0x10;
	s16 =	sand.u32 $0x3C00, s16  }
0x10: {  	s31 =	sand.u32 $0x7, s13;
	s16 =	sor.u32 s17, s16;
	s17 =	sadd.s32 s3, s30  }
0x11: {  	s13 =	sshll.u32 s31, $0x12;
	s16 =	sshrl.u32 s16, $0x3;
	s12 =	sadd.s32 s12, s17  }
0x12: {  	[tilespmem:s15+$0x0 ss:$0x81] =	vst.msk $0xffff, v0;
	s13 =	sor.u32 $0x400, s13;
	s12 =	sadd.s32 s16, s12  }
0x13: {  	[hbm4b:s12+s13] =	stream.strided.scatter [tilespmem:s14], [sflag:$0x2], $0x1000, s8, s13, $0x20;
	[tilespmem:$0x4040] =	vst v63  }
.LBB1_5:
0x14: {  	s14 =	sadd.s32 $0x1, s9  }
0x15: {  	s12 =	sadd.s32 $0x1000, s10;
	s16 =	smov.u32 s10;
	p2 =	sgt.s32 s14, $0x31  }
0x16: {  	s16 =	smov.u32 @p2 s12  }
0x17: {  	s14 =	simm.s32 @p2 $0x0;
	p2 =	sgt.s32 s16, $0x3FFF  }
0x18: {  	s16 =	smov.u32 @p2 s2;
	p2 =	sne.s32 s11, s7  }
.Ltmp1:
0x19: {  	p1 =	slt.u32 s11, $0x2;
	(pc) =	sbr.rel @!p2 .LBB1_6-.Ltmp1, $4  }
0x1a: {  	s15 =	simm.s32 @!p1 $0x2  }
0x1b: {  	s13 =	smov.u32 s10;
	p0 =	por !p0, !p0;
	_ =	swait.ge @!p1 [sflag:s15], $0x1000  }
0x1c: {  	s12 =	smov.u32 s9;
	[sflag:s15] =	ssyncset.done @!p1 $0x0;
	s9 =	smov.u32 s14  }
0x1d: {  	s11 =	sadd.s32 $0x1, s11;
	[sflag:s15] =	ssyncadd.s32 @!p1 $0xFFFFF000;
	s10 =	smov.u32 s16  }
.LBB1_1:
0x1e: {  	p1 =	sge.u32 s11, s5  }
0x1f: {  	s14 =	sand.u32 @!p1 $0x1FFFFFF, s9  }
0x20: {  	s15 =	smulhi.u32 @!p1 $0x4924925, s14;
	_ =	sdelay $0x1  }
0x21: {  	s15 =	smul.u32 @!p1 $0x38, s15  }
0x22: {  	s16 =	sxor.u32 @!p1 $0xFFFFFFFF, s11;
	s17 =	smul.u32 @!p1 $0x380, s10  }
0x23: {  	s31 =	sadd.s32 $0xFFFFFFFF, s11;
	s16 =	sshll.u32 @!p1 s16, $0xC;
	s14 =	ssub.s32 @!p1 s14, s15  }
0x24: {  	s15 =	sand.u32 @!p1 $0x1000, s16;
	s16 =	sadd.s32 @!p1 s6, s17;
	s14 =	sshll.u32 @!p1 s14, $0x4  }
0x25: {  	s17 =	simm.s32 @!p1 $0x1C00;
	s14 =	sadd.s32 @!p1 s14, s16;
	s16 =	simm.s32 @!p1 $0x20  }
0x26: {  	[tilespmem:s15], [sflag:$0x1] =	stream.strided.gather @!p1 [hbm4b:s14+s16], $0x1000, s17, s16, $0x38;
	[tilespmem:$0x4040] =	vst v63  }
0x27: {  	p1 =	sge.u32 s31, s5  }
.Ltmp2:
0x28: {  	_ = 	snop;
	(pc) =	sbr.rel @p1 .LBB1_5-.Ltmp2, $1  }
0x29: {  	_ =	sdelay $0x3  }
0x2a: {  	s14 =	simm.s32 $0x1  }
0x2b: {  	_ =	swait.ge [sflag:s4], $0x1000;
	s14 =	simm.s32 @!p0 $0x0  }
0x2c: {  	[sflag:s4] =	ssyncset.done $0x0;
	s15 =	sshll.u32 s14, $0xC  }
0x2d: {  	[sflag:s4] =	ssyncadd.s32 $0xFFFFF000;
	s18 =	sor.u32 $0x10, s15  }
0x2e: {  	s14 =	smul.u32 $0x4080, s14;
	v1 =	vld [tilespmem:s18+$0x0]  }
0x2f: {  	s30 =	sand.u32 $0x1, s11;
	v0 =	vld [tilespmem:s18+$0xFFFFFFF0]  }
0x30: {  	s15 =	smul.u32 $0x4080, s30;
	s14 =	sshrl.u32 s14, $0x2  }
0x31: {  	s16 =	sor.u32 $0x2000, s14  }
0x32: {  	s31 =	sshrl.u32 s15, $0x2;
	s15 =	sadd.s32 $0x0, s16  }
0x33: {  	s17 =	simm.s32 $0x4;
	s18 =	sadd.s32 $0x20, s18;
	s14 =	sor.u32 $0x2000, s31;
	[tilespmem:s15+$0x810 ss:$0x81] =	vst.msk $0xffff, v1  }
.LBB1_3:
0x34: {  	v1 =	vld [tilespmem:s18+$0x0];
	p1 =	sne.s32 s17, $0x1FC;
	[tilespmem:s15+$0x0 ss:$0x81] =	vst.msk $0xffff, v0;
	s15 =	smov.u32 s17;
	s17 =	sadd.s32 $0x4, s17  }
.Ltmp3:
0x35: {  	v0 =	vld [tilespmem:s18+$0xFFFFFFF0];
	(pc) =	sbr.rel @p1 .LBB1_3-.Ltmp3, $4  }
0x36: {  	_ = 	snop  }
0x37: {  	s15 =	sshra.s32 s15, $0x2  }
0x38: {  	s15 =	sadd.s32 s15, s16  }
0x39: {  	s18 =	sadd.s32 $0x20, s18;
	[tilespmem:s15+$0x810 ss:$0x81] =	vst.msk $0xffff, v1  }
.Ltmp4:
0x3a: {  	_ = 	snop;
	(pc) =	sbr.rel .LBB1_4-.Ltmp4, $1  }
0x3b: {  	_ =	sdelay $0x3  }
.LBB1_6:
0x3c: {  	_ =	sfence.sel $0x180000  }
0x3d: {  	s2 =	simm.s32 $0x1;
	[bflag:$0x0] =	sbarrier.arrive $0xFFFF  }
0x3e: {  	s31 =	simm.s32 $0x2;
	[sflag:s2] =	ssyncpa.u1 $0x1  }
0x3f: {  	[sflag:s31] =	ssyncpa.u1 $0x1  }
0x40: {  	p0 =	sne.s32 s0, $0x0;
	_ =	strace $0x9000004A  }
0x41: {  	s0 =	sadd.s32 @!p0 $0x100000, s1;
	[bflag:$0x2] =	sbarrier.arrive $0xFFFF  }
0x42: {  	[sflag:s0] =	ssyncadd.tile.s32 @!p0 $0x1;
	_ =	shalt  }
.Lfunc_end1:
_tile_overlayer_lowered:
.L_overlay_start_2:
0x43: {  	(tag) =	ssettag $0x2  }
0x44: {  	s0 =	rddreg [dreg:$0x0];
	s2 =	stileid.u32  }
0x45: {  	s1 =	rddreg [dreg:$0x1];
	p0 =	sne.s32 s2, $0x0  }
0x46: {  	s3 =	rddreg [dreg:$0x2];
	[bflag:$0x3] =	sbarrier.arrive $0xFFFF;
	s2 =	simm.s32 @!p0 $0x1C01  }
0x47: {  	[timem:s3], [sflag:s2] =	dma.local @!p0 [hbm:s0], s1  }
0x48: {  	s0 =	simm.s32 @!p0 $0x1  }
0x49: {  	_ =	swait.ge @!p0 [sflag:s0], s1  }
0x4a: {  	s1 =	ssub.s32 @!p0 $0x0, s1;
	[sflag:s0] =	ssyncset.done @!p0 $0x0  }
0x4b: {  	[sflag:s0] =	ssyncadd.s32 @!p0 s1  }
0x4c: {  	[bflag:$0x3] =	sbarrier.arrive $0xFFFF  }
0x4d: {  	_ =	shalt  }

</sc_bundles>
